<compile_context>
chip_gen: v7x
topology: tpu7x:2x2x1
jax: 0.10.2.dev20260603
libtpu: 0.0.44.dev20260713+nightly
codegen_flags: <defaults>
</compile_context>

<pallas_src>
import functools

import jax
import jax.numpy as jnp
from jax import lax
from jax.experimental import pallas as pl
from jax.experimental.pallas import tpu as pltpu
from jax.experimental.pallas import tpu_sc as plsc

N = 10000
E = 160000
H = 128
NRBF = 20
LANES = 16

CHUNK = 128
NW = 32
NTILES = 16
EPAD = 163840
NCHPW = EPAD // CHUNK // NW
NPAD = 10112
ROWS_PER_TILE = NPAD // NTILES

BE = 640
NBLK = E // BE
BN = 400


def _mlp_body(rbf_ref, ev_ref, w1_ref, b1_ref, w2_ref, b2_ref,
              fs_ref, f1_ref, t0_ref, t1_ref, t2_ref):
    pid = pl.program_id(0)

    @pl.when(pid < NBLK)
    def _():
        x = jnp.dot(rbf_ref[...], w1_ref[...],
                    preferred_element_type=jnp.float32) + b1_ref[...]
        h = x * jax.nn.sigmoid(x)
        fw = jnp.dot(h, w2_ref[...], preferred_element_type=jnp.float32)
        fw = fw + b2_ref[...]
        fs_ref[...] = fw[:, 0:H]
        f1_ref[...] = fw[:, H:2 * H]
        f2 = fw[:, 2 * H:3 * H]
        t0_ref[...] = f2 * ev_ref[:, 0:1]
        t1_ref[...] = f2 * ev_ref[:, 1:2]
        t2_ref[...] = f2 * ev_ref[:, 2:3]

    @pl.when(pid >= NBLK)
    def _():
        z = jnp.zeros((BE, H), jnp.float32)
        fs_ref[...] = z
        f1_ref[...] = z
        t0_ref[...] = z
        t1_ref[...] = z
        t2_ref[...] = z


def _edge_mlp(rbf, ev, W1, b1, W2, b2):
    out = jax.ShapeDtypeStruct((EPAD, H), jnp.float32)
    return pl.pallas_call(
        _mlp_body,
        grid=(EPAD // BE,),
        in_specs=[
            pl.BlockSpec((BE, NRBF), lambda i: (i, 0)),
            pl.BlockSpec((BE, 3), lambda i: (i, 0)),
            pl.BlockSpec((NRBF, H), lambda i: (0, 0)),
            pl.BlockSpec((1, H), lambda i: (0, 0)),
            pl.BlockSpec((H, 3 * H), lambda i: (0, 0)),
            pl.BlockSpec((1, 3 * H), lambda i: (0, 0)),
        ],
        out_specs=[pl.BlockSpec((BE, H), lambda i: (i, 0))] * 5,
        out_shape=[out, out, out, out, out],
    )(rbf, ev, W1, b1.reshape(1, H), W2, b2.reshape(1, 3 * H))


def _combine_body(sf_ref, vf_ref, p_ref, so_ref, vo_ref):
    so_ref[...] = sf_ref[...] + p_ref[0, 0] + p_ref[0, 1]
    vo_ref[:, 0, :] = vf_ref[:, 0, :] + p_ref[1, 0] + p_ref[1, 1]
    vo_ref[:, 1, :] = vf_ref[:, 1, :] + p_ref[2, 0] + p_ref[2, 1]
    vo_ref[:, 2, :] = vf_ref[:, 2, :] + p_ref[3, 0] + p_ref[3, 1]


def _combine(sf, vf, parts):
    return pl.pallas_call(
        _combine_body,
        grid=(N // BN,),
        in_specs=[
            pl.BlockSpec((BN, H), lambda i: (i, 0)),
            pl.BlockSpec((BN, 3, H), lambda i: (i, 0, 0)),
            pl.BlockSpec((4, 2, BN, H), lambda i: (0, 0, i, 0)),
        ],
        out_specs=[
            pl.BlockSpec((BN, H), lambda i: (i, 0)),
            pl.BlockSpec((BN, 3, H), lambda i: (i, 0, 0)),
        ],
        out_shape=[
            jax.ShapeDtypeStruct((N, H), jnp.float32),
            jax.ShapeDtypeStruct((N, 3, H), jnp.float32),
        ],
    )(sf, vf, parts)


def _make_sc_pass():
    mesh = plsc.VectorSubcoreMesh(core_axis_name="c", subcore_axis_name="s")

    @functools.partial(
        pl.kernel, mesh=mesh,
        out_type=jax.ShapeDtypeStruct((4, 2, NPAD, H), jnp.float32),
        scratch_types=[
            pltpu.VMEM((CHUNK,), jnp.int32),
            pltpu.VMEM((CHUNK,), jnp.int32),
            pltpu.VMEM((CHUNK, H), jnp.float32),
            pltpu.VMEM((CHUNK, H), jnp.float32),
            pltpu.VMEM((CHUNK, H), jnp.float32),
            pltpu.VMEM_SHARED((NPAD, H), jnp.float32),
            pltpu.SemaphoreType.DMA,
        ],
    )
    def sc_pass(sf, v0, v1, v2, srci, dsti, fs, f1, t0, t1, t2, zz, out,
                sall, dall, rows, f1rows, t2rows, acc, sem):
        cid = lax.axis_index("c")
        sid = lax.axis_index("s")
        wid = sid * 2 + cid
        r0 = sid * ROWS_PER_TILE

        phases = ((sf, fs, None), (v0, f1, t0), (v1, f1, t1), (v2, f1, t2))
        for p, (tbl, fil, t2f) in enumerate(phases):
            pltpu.sync_copy(zz.at[pl.ds(r0, ROWS_PER_TILE)],
                            acc.at[pl.ds(r0, ROWS_PER_TILE)])
            plsc.subcore_barrier()

            def chunk_body(i, carry):
                c = wid + i * NW
                c0 = c * CHUNK
                pltpu.sync_copy(srci.at[c], sall)
                pltpu.sync_copy(dsti.at[c], dall)
                cp = pltpu.async_copy(tbl.at[sall], rows, sem)
                pltpu.sync_copy(fil.at[pl.ds(c0, CHUNK)], f1rows)
                if t2f is not None:
                    pltpu.sync_copy(t2f.at[pl.ds(c0, CHUNK)], t2rows)
                cp.wait()

                if t2f is None:
                    def e_body(e, _):
                        for hh in range(H // LANES):
                            s = pl.ds(hh * LANES, LANES)
                            rows[e, s] = rows[e, s] * f1rows[e, s]
                        return 0
                else:
                    def e_body(e, _):
                        for hh in range(H // LANES):
                            s = pl.ds(hh * LANES, LANES)
                            rows[e, s] = (rows[e, s] * f1rows[e, s]
                                          + t2rows[e, s])
                        return 0

                lax.fori_loop(0, CHUNK, e_body, 0)
                pltpu.sync_copy(rows, acc.at[dall], add=True)
                return 0

            lax.fori_loop(0, NCHPW, chunk_body, 0)
            plsc.subcore_barrier()
            pltpu.sync_copy(acc.at[pl.ds(r0, ROWS_PER_TILE)],
                            out.at[p, cid, pl.ds(r0, ROWS_PER_TILE)])

    return sc_pass


_sc_pass = _make_sc_pass()


def kernel(scalar_features, vector_features, edge_index, edge_rbf,
           edge_vector, W1, b1, W2, b2):
    epad = EPAD - E
    spread = (jnp.arange(epad, dtype=jnp.int32) * 37) % N
    src = jnp.concatenate([edge_index[0], spread])
    dst = jnp.concatenate([edge_index[1], spread])
    src3 = src.reshape(EPAD // CHUNK, CHUNK)
    dst3 = dst.reshape(EPAD // CHUNK, CHUNK)
    rbf = jnp.pad(edge_rbf, ((0, epad), (0, 0)))
    ev = jnp.pad(edge_vector, ((0, epad), (0, 0)))
    vfT = jnp.transpose(vector_features, (1, 0, 2))

    fs, f1, t0, t1, t2 = _edge_mlp(rbf, ev, W1, b1, W2, b2)
    zz = jnp.zeros((NPAD, H), jnp.float32)

    parts = _sc_pass(scalar_features, vfT[0], vfT[1], vfT[2],
                     src3, dst3, fs, f1, t0, t1, t2, zz)

    return _combine(scalar_features, vector_features, parts)

# --- scband reference (transcript-rebuilt; emitter-appended) ---
"""Pipeline reference for scband-student-force-field-20349555048659 (READ-ONLY COPY).

The authoritative reference and input builder live on the scoring server;
editing this copy changes nothing except your own understanding.
"""

import jax, jax.numpy as jnp
import numpy as np

N_NODES = 10000
N_EDGES = 160000
HIDDEN = 128
NUM_RBF = 20


def setup_inputs(seed: int = 0) -> dict:
    key = jax.random.key(seed)
    ks = jax.random.split(key, 8)
    scalar_features = jax.random.normal(ks[0], (N_NODES, HIDDEN), dtype=jnp.float32)
    vector_features = jax.random.normal(ks[1], (N_NODES, 3, HIDDEN), dtype=jnp.float32)
    edge_index = jax.random.randint(ks[2], (2, N_EDGES), 0, N_NODES, dtype=jnp.int32)
    edge_rbf = jax.random.uniform(ks[3], (N_EDGES, NUM_RBF), dtype=jnp.float32)
    ev = jax.random.normal(ks[4], (N_EDGES, 3), dtype=jnp.float32)
    edge_vector = ev / (jnp.linalg.norm(ev, axis=-1, keepdims=True) + 1e-8)
    # Parameters of rbf_to_scalar = Linear(num_rbf, hidden) -> SiLU -> Linear(hidden, hidden*3)
    W1 = jax.random.normal(ks[5], (NUM_RBF, HIDDEN), dtype=jnp.float32) * (1.0 / np.sqrt(NUM_RBF))
    b1 = jnp.zeros((HIDDEN,), dtype=jnp.float32)
    W2 = jax.random.normal(ks[6], (HIDDEN, HIDDEN * 3), dtype=jnp.float32) * (1.0 / np.sqrt(HIDDEN))
    b2 = jnp.zeros((HIDDEN * 3,), dtype=jnp.float32)
    return {
        "scalar_features": scalar_features,
        "vector_features": vector_features,
        "edge_index": edge_index,
        "edge_rbf": edge_rbf,
        "edge_vector": edge_vector,
        "W1": W1, "b1": b1, "W2": W2, "b2": b2,
    }


def reference(scalar_features, vector_features, edge_index, edge_rbf, edge_vector, W1, b1, W2, b2):
    src = edge_index[0]
    dst = edge_index[1]
    n = scalar_features.shape[0]
    h = jax.nn.silu(edge_rbf @ W1 + b1)
    filter_weight = h @ W2 + b2
    filter_scalar = filter_weight[:, :HIDDEN]
    filter_vector_1 = filter_weight[:, HIDDEN:2 * HIDDEN]
    filter_vector_2 = filter_weight[:, 2 * HIDDEN:]
    # scalar messages: gather over src, scatter-add over dst
    scalar_message = jnp.take(scalar_features, src, axis=0) * filter_scalar
    scalar_out = scalar_features + jax.ops.segment_sum(scalar_message, dst, num_segments=n)
    # vector messages (equivariant)
    vector_message = (
        jnp.take(vector_features, src, axis=0) * filter_vector_1[:, None, :]
        + edge_vector[:, :, None] * filter_vector_2[:, None, :]
    )
    vector_out = vector_features + jax.ops.segment_sum(vector_message, dst, num_segments=n)
    return scalar_out, vector_out

if __name__ == "__main__":
    import jax
    _d = setup_inputs()
    print(jax.jit(kernel)(*tuple(_d.values())))

</pallas_src>

<mosaic_0001>
#map = affine_map<(d0, d1) -> (0, 0)>
#map1 = affine_map<(d0, d1) -> (0, 0, 0, 0)>
module attributes {stable_mosaic.version = 14 : i64} {
  func.func @sc_pass(%arg0: i32, %arg1: i32, %arg2: memref<10000x128xf32, #tpu.memory_space<hbm>>, %arg3: memref<10000x128xf32, #tpu.memory_space<hbm>>, %arg4: memref<10000x128xf32, #tpu.memory_space<hbm>>, %arg5: memref<10000x128xf32, #tpu.memory_space<hbm>>, %arg6: memref<1280x128xi32, #tpu.memory_space<hbm>>, %arg7: memref<1280x128xi32, #tpu.memory_space<hbm>>, %arg8: memref<163840x128xf32, #tpu.memory_space<hbm>>, %arg9: memref<163840x128xf32, #tpu.memory_space<hbm>>, %arg10: memref<163840x128xf32, #tpu.memory_space<hbm>>, %arg11: memref<163840x128xf32, #tpu.memory_space<hbm>>, %arg12: memref<163840x128xf32, #tpu.memory_space<hbm>>, %arg13: memref<10112x128xf32, #tpu.memory_space<hbm>>, %arg14: memref<4x2x10112x128xf32, #tpu.memory_space<hbm>>, %arg15: memref<128xi32, #tpu.memory_space<vmem>>, %arg16: memref<128xi32, #tpu.memory_space<vmem>>, %arg17: memref<128x128xf32, #tpu.memory_space<vmem>>, %arg18: memref<128x128xf32, #tpu.memory_space<vmem>>, %arg19: memref<128x128xf32, #tpu.memory_space<vmem>>, %arg20: memref<10112x128xf32, #tpu.memory_space<vmem_shared>>, %arg21: memref<!tpu.dma_semaphore, #tpu.memory_space<semaphore_mem>>) attributes {dimension_semantics = [#tpu.dimension_semantics<core_parallel>, #tpu.dimension_semantics<subcore_parallel>], iteration_bounds = array<i64: 2, 16>, scalar_prefetch = 0 : i64, scratch_operands = 7 : i64, tpu.core_type = #tpu.core_type<sc_vector_subcore>, window_params = [{transform_indices = #map}, {transform_indices = #map}, {transform_indices = #map}, {transform_indices = #map}, {transform_indices = #map}, {transform_indices = #map}, {transform_indices = #map}, {transform_indices = #map}, {transform_indices = #map}, {transform_indices = #map}, {transform_indices = #map}, {transform_indices = #map}, {transform_indices = #map1}]} {
    %mul3A = arith.constant 2 : i32
    %mul3A_0 = arith.muli %arg1, %mul3A : i32
    %add3A = arith.addi %mul3A_0, %arg0 : i32
    %mul3A_1 = arith.constant 632 : i32
    %mul3A_2 = arith.muli %arg1, %mul3A_1 : i32
    "tpu.region"() ({
      %run_scoped3A_40 = tpu.sem_alloc : memref<!tpu.dma_semaphore, #tpu.memory_space<semaphore_mem>>
      %dma_start3A = arith.constant 0 : i32
      %dma_start3A_41 = tpu.memref_slice %arg20[%mul3A_2, %dma_start3A] : memref<10112x128xf32, #tpu.memory_space<vmem_shared>> -> memref<632x128xf32, #tpu.memory_space<vmem_shared>>
      %dma_start3A_42 = arith.constant 0 : i32
      %dma_start3A_43 = tpu.memref_slice %arg13[%mul3A_2, %dma_start3A_42] : memref<10112x128xf32, #tpu.memory_space<hbm>> -> memref<632x128xf32, #tpu.memory_space<hbm>>
      tpu.enqueue_dma source(%dma_start3A_43 : memref<632x128xf32, #tpu.memory_space<hbm>>) target(%dma_start3A_41 : memref<632x128xf32, #tpu.memory_space<vmem_shared>>) target_semaphore(%run_scoped3A_40 : memref<!tpu.dma_semaphore, #tpu.memory_space<semaphore_mem>>)
      %dma_wait3A = arith.constant 0 : i32
      %dma_wait3A_44 = tpu.memref_slice %arg20[%mul3A_2, %dma_wait3A] : memref<10112x128xf32, #tpu.memory_space<vmem_shared>> -> memref<632x128xf32, #tpu.memory_space<vmem_shared>>
      %dma_wait3A_45 = arith.constant 0 : i32
      %dma_wait3A_46 = tpu.memref_slice %arg13[%mul3A_2, %dma_wait3A_45] : memref<10112x128xf32, #tpu.memory_space<hbm>> -> memref<632x128xf32, #tpu.memory_space<hbm>>
      tpu.wait_dma2 semaphore(%run_scoped3A_40 : memref<!tpu.dma_semaphore, #tpu.memory_space<semaphore_mem>>) src(%dma_wait3A_46 : memref<632x128xf32, #tpu.memory_space<hbm>>) dst(%dma_wait3A_44 : memref<632x128xf32, #tpu.memory_space<vmem_shared>>)
      tpu.yield
    }) : () -> ()
    %barrier3A = arith.constant 0 : index
    tpu.barrier barrier_id(%barrier3A)
    %scan3A = arith.constant 0 : i32
    %scan3A_3 = arith.constant 0 : i32
    %scan3A_4 = arith.constant 40 : i32
    %scan3A_5 = arith.addi %scan3A_3, %scan3A_4 : i32
    %scan3A_6 = arith.constant 1 : i32
    %scan3A_7 = scf.for %scan3A_40 = %scan3A_3 to %scan3A_5 step %scan3A_6 iter_args(%scan3A_41 = %scan3A) -> (i32)  : i32 {
      %mul3A_42 = arith.constant 32 : i32
      %mul3A_43 = arith.muli %scan3A_40, %mul3A_42 : i32
      %add3A_44 = arith.addi %add3A, %mul3A_43 : i32
      %mul3A_45 = arith.constant 128 : i32
      %mul3A_46 = arith.muli %add3A_44, %mul3A_45 : i32
      "tpu.region"() ({
        %run_scoped3A_59 = tpu.sem_alloc : memref<!tpu.dma_semaphore, #tpu.memory_space<semaphore_mem>>
        %dma_start3A_60 = arith.constant 0 : i32
        %dma_start3A_61 = tpu.memref_slice %arg6[%add3A_44, %dma_start3A_60] : memref<1280x128xi32, #tpu.memory_space<hbm>> -> memref<1x128xi32, #tpu.memory_space<hbm>>
        %dma_start3A_62 = tpu.memref_squeeze %dma_start3A_61 : memref<1x128xi32, #tpu.memory_space<hbm>> -> memref<128xi32, #tpu.memory_space<hbm>>
        %dma_start3A_63 = arith.constant 0 : i32
        %dma_start3A_64 = tpu.memref_slice %arg6[%add3A_44, %dma_start3A_63] : memref<1280x128xi32, #tpu.memory_space<hbm>> -> memref<1x128xi32, #tpu.memory_space<hbm>>
        %dma_start3A_65 = tpu.memref_squeeze %dma_start3A_64 : memref<1x128xi32, #tpu.memory_space<hbm>> -> memref<128xi32, #tpu.memory_space<hbm>>
        tpu.enqueue_dma source(%dma_start3A_65 : memref<128xi32, #tpu.memory_space<hbm>>) target(%arg15 : memref<128xi32, #tpu.memory_space<vmem>>) target_semaphore(%run_scoped3A_59 : memref<!tpu.dma_semaphore, #tpu.memory_space<semaphore_mem>>)
        %dma_wait3A_66 = arith.constant 0 : i32
        %dma_wait3A_67 = tpu.memref_slice %arg6[%add3A_44, %dma_wait3A_66] : memref<1280x128xi32, #tpu.memory_space<hbm>> -> memref<1x128xi32, #tpu.memory_space<hbm>>
        %dma_wait3A_68 = tpu.memref_squeeze %dma_wait3A_67 : memref<1x128xi32, #tpu.memory_space<hbm>> -> memref<128xi32, #tpu.memory_space<hbm>>
        %dma_wait3A_69 = arith.constant 0 : i32
        %dma_wait3A_70 = tpu.memref_slice %arg6[%add3A_44, %dma_wait3A_69] : memref<1280x128xi32, #tpu.memory_space<hbm>> -> memref<1x128xi32, #tpu.memory_space<hbm>>
        %dma_wait3A_71 = tpu.memref_squeeze %dma_wait3A_70 : memref<1x128xi32, #tpu.memory_space<hbm>> -> memref<128xi32, #tpu.memory_space<hbm>>
        tpu.wait_dma2 semaphore(%run_scoped3A_59 : memref<!tpu.dma_semaphore, #tpu.memory_space<semaphore_mem>>) src(%dma_wait3A_71 : memref<128xi32, #tpu.memory_space<hbm>>) dst(%arg15 : memref<128xi32, #tpu.memory_space<vmem>>)
        tpu.yield
      }) : () -> ()
      "tpu.region"() ({
        %run_scoped3A_59 = tpu.sem_alloc : memref<!tpu.dma_semaphore, #tpu.memory_space<semaphore_mem>>
        %dma_start3A_60 = arith.constant 0 : i32
        %dma_start3A_61 = tpu.memref_slice %arg7[%add3A_44, %dma_start3A_60] : memref<1280x128xi32, #tpu.memory_space<hbm>> -> memref<1x128xi32, #tpu.memory_space<hbm>>
        %dma_start3A_62 = tpu.memref_squeeze %dma_start3A_61 : memref<1x128xi32, #tpu.memory_space<hbm>> -> memref<128xi32, #tpu.memory_space<hbm>>
        %dma_start3A_63 = arith.constant 0 : i32
        %dma_start3A_64 = tpu.memref_slice %arg7[%add3A_44, %dma_start3A_63] : memref<1280x128xi32, #tpu.memory_space<hbm>> -> memref<1x128xi32, #tpu.memory_space<hbm>>
        %dma_start3A_65 = tpu.memref_squeeze %dma_start3A_64 : memref<1x128xi32, #tpu.memory_space<hbm>> -> memref<128xi32, #tpu.memory_space<hbm>>
        tpu.enqueue_dma source(%dma_start3A_65 : memref<128xi32, #tpu.memory_space<hbm>>) target(%arg16 : memref<128xi32, #tpu.memory_space<vmem>>) target_semaphore(%run_scoped3A_59 : memref<!tpu.dma_semaphore, #tpu.memory_space<semaphore_mem>>)
        %dma_wait3A_66 = arith.constant 0 : i32
        %dma_wait3A_67 = tpu.memref_slice %arg7[%add3A_44, %dma_wait3A_66] : memref<1280x128xi32, #tpu.memory_space<hbm>> -> memref<1x128xi32, #tpu.memory_space<hbm>>
        %dma_wait3A_68 = tpu.memref_squeeze %dma_wait3A_67 : memref<1x128xi32, #tpu.memory_space<hbm>> -> memref<128xi32, #tpu.memory_space<hbm>>
        %dma_wait3A_69 = arith.constant 0 : i32
        %dma_wait3A_70 = tpu.memref_slice %arg7[%add3A_44, %dma_wait3A_69] : memref<1280x128xi32, #tpu.memory_space<hbm>> -> memref<1x128xi32, #tpu.memory_space<hbm>>
        %dma_wait3A_71 = tpu.memref_squeeze %dma_wait3A_70 : memref<1x128xi32, #tpu.memory_space<hbm>> -> memref<128xi32, #tpu.memory_space<hbm>>
        tpu.wait_dma2 semaphore(%run_scoped3A_59 : memref<!tpu.dma_semaphore, #tpu.memory_space<semaphore_mem>>) src(%dma_wait3A_71 : memref<128xi32, #tpu.memory_space<hbm>>) dst(%arg16 : memref<128xi32, #tpu.memory_space<vmem>>)
        tpu.yield
      }) : () -> ()
      %dma_start3A = arith.constant 0 : i32
      %dma_start3A_47 = arith.constant 0 : i32
      %dma_start3A_48 = tpu.memref_slice %arg2[%dma_start3A, %dma_start3A_47] : memref<10000x128xf32, #tpu.memory_space<hbm>> -> memref<10000x128xf32, #tpu.memory_space<hbm>>
      tpu.enqueue_indirect_dma source(%dma_start3A_48 : memref<10000x128xf32, #tpu.memory_space<hbm>>) target(%arg17 : memref<128x128xf32, #tpu.memory_space<vmem>>) offsets(%arg15 : memref<128xi32, #tpu.memory_space<vmem>>) semaphore(%arg21 : memref<!tpu.dma_semaphore, #tpu.memory_space<semaphore_mem>>)
      "tpu.region"() ({
        %run_scoped3A_59 = tpu.sem_alloc : memref<!tpu.dma_semaphore, #tpu.memory_space<semaphore_mem>>
        %dma_start3A_60 = arith.constant 0 : i32
        %dma_start3A_61 = tpu.memref_slice %arg8[%mul3A_46, %dma_start3A_60] : memref<163840x128xf32, #tpu.memory_space<hbm>> -> memref<128x128xf32, #tpu.memory_space<hbm>>
        %dma_start3A_62 = arith.constant 0 : i32
        %dma_start3A_63 = tpu.memref_slice %arg8[%mul3A_46, %dma_start3A_62] : memref<163840x128xf32, #tpu.memory_space<hbm>> -> memref<128x128xf32, #tpu.memory_space<hbm>>
        tpu.enqueue_dma source(%dma_start3A_63 : memref<128x128xf32, #tpu.memory_space<hbm>>) target(%arg18 : memref<128x128xf32, #tpu.memory_space<vmem>>) target_semaphore(%run_scoped3A_59 : memref<!tpu.dma_semaphore, #tpu.memory_space<semaphore_mem>>)
        %dma_wait3A_64 = arith.constant 0 : i32
        %dma_wait3A_65 = tpu.memref_slice %arg8[%mul3A_46, %dma_wait3A_64] : memref<163840x128xf32, #tpu.memory_space<hbm>> -> memref<128x128xf32, #tpu.memory_space<hbm>>
        %dma_wait3A_66 = arith.constant 0 : i32
        %dma_wait3A_67 = tpu.memref_slice %arg8[%mul3A_46, %dma_wait3A_66] : memref<163840x128xf32, #tpu.memory_space<hbm>> -> memref<128x128xf32, #tpu.memory_space<hbm>>
        tpu.wait_dma2 semaphore(%run_scoped3A_59 : memref<!tpu.dma_semaphore, #tpu.memory_space<semaphore_mem>>) src(%dma_wait3A_67 : memref<128x128xf32, #tpu.memory_space<hbm>>) dst(%arg18 : memref<128x128xf32, #tpu.memory_space<vmem>>)
        tpu.yield
      }) : () -> ()
      %dma_wait3A = arith.constant 0 : i32
      %dma_wait3A_49 = arith.constant 0 : i32
      %dma_wait3A_50 = tpu.memref_slice %arg2[%dma_wait3A, %dma_wait3A_49] : memref<10000x128xf32, #tpu.memory_space<hbm>> -> memref<10000x128xf32, #tpu.memory_space<hbm>>
      tpu.wait_indirect_dma semaphore(%arg21 : memref<!tpu.dma_semaphore, #tpu.memory_space<semaphore_mem>>) src(%dma_wait3A_50 : memref<10000x128xf32, #tpu.memory_space<hbm>>) dst(%arg17 : memref<128x128xf32, #tpu.memory_space<vmem>>)
      %scan3A_51 = arith.constant 0 : i32
      %scan3A_52 = arith.constant 0 : i32
      %scan3A_53 = arith.constant 128 : i32
      %scan3A_54 = arith.addi %scan3A_52, %scan3A_53 : i32
      %scan3A_55 = arith.constant 1 : i32
      %scan3A_56 = scf.for %scan3A_59 = %scan3A_52 to %scan3A_54 step %scan3A_55 iter_args(%scan3A_60 = %scan3A_51) -> (i32)  : i32 {
        %get3A = arith.index_cast %scan3A_59 : i32 to index
        %get3A_61 = arith.constant 0 : index
        %get3A_62 = tpu.vector_load %arg17[%get3A, %get3A_61] {strides = array<i32>} : memref<128x128xf32, #tpu.memory_space<vmem>>, vector<1x16xf32>,
        %get3A_63 = vector.shape_cast %get3A_62 : vector<1x16xf32> to vector<16xf32>
        %get3A_64 = arith.index_cast %scan3A_59 : i32 to index
        %get3A_65 = arith.constant 0 : index
        %get3A_66 = tpu.vector_load %arg18[%get3A_64, %get3A_65] {strides = array<i32>} : memref<128x128xf32, #tpu.memory_space<vmem>>, vector<1x16xf32>,
        %get3A_67 = vector.shape_cast %get3A_66 : vector<1x16xf32> to vector<16xf32>
        %mul3A_68 = arith.mulf %get3A_63, %get3A_67 : vector<16xf32>
        %swap3A = arith.index_cast %scan3A_59 : i32 to index
        %swap3A_69 = arith.constant 0 : index
        %swap3A_70 = tpu.vector_load %arg17[%swap3A, %swap3A_69] {strides = array<i32>} : memref<128x128xf32, #tpu.memory_space<vmem>>, vector<1x16xf32>,
        %swap3A_71 = vector.shape_cast %swap3A_70 : vector<1x16xf32> to vector<16xf32>
        %swap3A_72 = vector.shape_cast %mul3A_68 : vector<16xf32> to vector<1x16xf32>
        tpu.vector_store %arg17[%swap3A, %swap3A_69], %swap3A_72 {strides = array<i32>} : memref<128x128xf32, #tpu.memory_space<vmem>>, vector<1x16xf32>,
        %get3A_73 = arith.index_cast %scan3A_59 : i32 to index
        %get3A_74 = arith.constant 16 : index
        %get3A_75 = tpu.vector_load %arg17[%get3A_73, %get3A_74] {strides = array<i32>} : memref<128x128xf32, #tpu.memory_space<vmem>>, vector<1x16xf32>,
        %get3A_76 = vector.shape_cast %get3A_75 : vector<1x16xf32> to vector<16xf32>
        %get3A_77 = arith.index_cast %scan3A_59 : i32 to index
        %get3A_78 = arith.constant 16 : index
        %get3A_79 = tpu.vector_load %arg18[%get3A_77, %get3A_78] {strides = array<i32>} : memref<128x128xf32, #tpu.memory_space<vmem>>, vector<1x16xf32>,
        %get3A_80 = vector.shape_cast %get3A_79 : vector<1x16xf32> to vector<16xf32>
        %mul3A_81 = arith.mulf %get3A_76, %get3A_80 : vector<16xf32>
        %swap3A_82 = arith.index_cast %scan3A_59 : i32 to index
        %swap3A_83 = arith.constant 16 : index
        %swap3A_84 = tpu.vector_load %arg17[%swap3A_82, %swap3A_83] {strides = array<i32>} : memref<128x128xf32, #tpu.memory_space<vmem>>, vector<1x16xf32>,
        %swap3A_85 = vector.shape_cast %swap3A_84 : vector<1x16xf32> to vector<16xf32>
        %swap3A_86 = vector.shape_cast %mul3A_81 : vector<16xf32> to vector<1x16xf32>
        tpu.vector_store %arg17[%swap3A_82, %swap3A_83], %swap3A_86 {strides = array<i32>} : memref<128x128xf32, #tpu.memory_space<vmem>>, vector<1x16xf32>,
        %get3A_87 = arith.index_cast %scan3A_59 : i32 to index
        %get3A_88 = arith.constant 32 : index
        %get3A_89 = tpu.vector_load %arg17[%get3A_87, %get3A_88] {strides = array<i32>} : memref<128x128xf32, #tpu.memory_space<vmem>>, vector<1x16xf32>,
        %get3A_90 = vector.shape_cast %get3A_89 : vector<1x16xf32> to vector<16xf32>
        %get3A_91 = arith.index_cast %scan3A_59 : i32 to index
        %get3A_92 = arith.constant 32 : index
        %get3A_93 = tpu.vector_load %arg18[%get3A_91, %get3A_92] {strides = array<i32>} : memref<128x128xf32, #tpu.memory_space<vmem>>, vector<1x16xf32>,
        %get3A_94 = vector.shape_cast %get3A_93 : vector<1x16xf32> to vector<16xf32>
        %mul3A_95 = arith.mulf %get3A_90, %get3A_94 : vector<16xf32>
        %swap3A_96 = arith.index_cast %scan3A_59 : i32 to index
        %swap3A_97 = arith.constant 32 : index
        %swap3A_98 = tpu.vector_load %arg17[%swap3A_96, %swap3A_97] {strides = array<i32>} : memref<128x128xf32, #tpu.memory_space<vmem>>, vector<1x16xf32>,
        %swap3A_99 = vector.shape_cast %swap3A_98 : vector<1x16xf32> to vector<16xf32>
        %swap3A_100 = vector.shape_cast %mul3A_95 : vector<16xf32> to vector<1x16xf32>
        tpu.vector_store %arg17[%swap3A_96, %swap3A_97], %swap3A_100 {strides = array<i32>} : memref<128x128xf32, #tpu.memory_space<vmem>>, vector<1x16xf32>,
        %get3A_101 = arith.index_cast %scan3A_59 : i32 to index
        %get3A_102 = arith.constant 48 : index
        %get3A_103 = tpu.vector_load %arg17[%get3A_101, %get3A_102] {strides = array<i32>} : memref<128x128xf32, #tpu.memory_space<vmem>>, vector<1x16xf32>,
        %get3A_104 = vector.shape_cast %get3A_103 : vector<1x16xf32> to vector<16xf32>
        %get3A_105 = arith.index_cast %scan3A_59 : i32 to index
        %get3A_106 = arith.constant 48 : index
        %get3A_107 = tpu.vector_load %arg18[%get3A_105, %get3A_106] {strides = array<i32>} : memref<128x128xf32, #tpu.memory_space<vmem>>, vector<1x16xf32>,
        %get3A_108 = vector.shape_cast %get3A_107 : vector<1x16xf32> to vector<16xf32>
        %mul3A_109 = arith.mulf %get3A_104, %get3A_108 : vector<16xf32>
        %swap3A_110 = arith.index_cast %scan3A_59 : i32 to index
        %swap3A_111 = arith.constant 48 : index
        %swap3A_112 = tpu.vector_load %arg17[%swap3A_110, %swap3A_111] {strides = array<i32>} : memref<128x128xf32, #tpu.memory_space<vmem>>, vector<1x16xf32>,
        %swap3A_113 = vector.shape_cast %swap3A_112 : vector<1x16xf32> to vector<16xf32>
        %swap3A_114 = vector.shape_cast %mul3A_109 : vector<16xf32> to vector<1x16xf32>
        tpu.vector_store %arg17[%swap3A_110, %swap3A_111], %swap3A_114 {strides = array<i32>} : memref<128x128xf32, #tpu.memory_space<vmem>>, vector<1x16xf32>,
        %get3A_115 = arith.index_cast %scan3A_59 : i32 to index
        %get3A_116 = arith.constant 64 : index
        %get3A_117 = tpu.vector_load %arg17[%get3A_115, %get3A_116] {strides = array<i32>} : memref<128x128xf32, #tpu.memory_space<vmem>>, vector<1x16xf32>,
        %get3A_118 = vector.shape_cast %get3A_117 : vector<1x16xf32> to vector<16xf32>
        %get3A_119 = arith.index_cast %scan3A_59 : i32 to index
        %get3A_120 = arith.constant 64 : index
        %get3A_121 = tpu.vector_load %arg18[%get3A_119, %get3A_120] {strides = array<i32>} : memref<128x128xf32, #tpu.memory_space<vmem>>, vector<1x16xf32>,
        %get3A_122 = vector.shape_cast %get3A_121 : vector<1x16xf32> to vector<16xf32>
        %mul3A_123 = arith.mulf %get3A_118, %get3A_122 : vector<16xf32>
        %swap3A_124 = arith.index_cast %scan3A_59 : i32 to index
        %swap3A_125 = arith.constant 64 : index
        %swap3A_126 = tpu.vector_load %arg17[%swap3A_124, %swap3A_125] {strides = array<i32>} : memref<128x128xf32, #tpu.memory_space<vmem>>, vector<1x16xf32>,
        %swap3A_127 = vector.shape_cast %swap3A_126 : vector<1x16xf32> to vector<16xf32>
        %swap3A_128 = vector.shape_cast %mul3A_123 : vector<16xf32> to vector<1x16xf32>
        tpu.vector_store %arg17[%swap3A_124, %swap3A_125], %swap3A_128 {strides = array<i32>} : memref<128x128xf32, #tpu.memory_space<vmem>>, vector<1x16xf32>,
        %get3A_129 = arith.index_cast %scan3A_59 : i32 to index
        %get3A_130 = arith.constant 80 : index
        %get3A_131 = tpu.vector_load %arg17[%get3A_129, %get3A_130] {strides = array<i32>} : memref<128x128xf32, #tpu.memory_space<vmem>>, vector<1x16xf32>,
        %get3A_132 = vector.shape_cast %get3A_131 : vector<1x16xf32> to vector<16xf32>
        %get3A_133 = arith.index_cast %scan3A_59 : i32 to index
        %get3A_134 = arith.constant 80 : index
        %get3A_135 = tpu.vector_load %arg18[%get3A_133, %get3A_134] {strides = array<i32>} : memref<128x128xf32, #tpu.memory_space<vmem>>, vector<1x16xf32>,
        %get3A_136 = vector.shape_cast %get3A_135 : vector<1x16xf32> to vector<16xf32>
        %mul3A_137 = arith.mulf %get3A_132, %get3A_136 : vector<16xf32>
        %swap3A_138 = arith.index_cast %scan3A_59 : i32 to index
        %swap3A_139 = arith.constant 80 : index
        %swap3A_140 = tpu.vector_load %arg17[%swap3A_138, %swap3A_139] {strides = array<i32>} : memref<128x128xf32, #tpu.memory_space<vmem>>, vector<1x16xf32>,
        %swap3A_141 = vector.shape_cast %swap3A_140 : vector<1x16xf32> to vector<16xf32>
        %swap3A_142 = vector.shape_cast %mul3A_137 : vector<16xf32> to vector<1x16xf32>
        tpu.vector_store %arg17[%swap3A_138, %swap3A_139], %swap3A_142 {strides = array<i32>} : memref<128x128xf32, #tpu.memory_space<vmem>>, vector<1x16xf32>,
        %get3A_143 = arith.index_cast %scan3A_59 : i32 to index
        %get3A_144 = arith.constant 96 : index
        %get3A_145 = tpu.vector_load %arg17[%get3A_143, %get3A_144] {strides = array<i32>} : memref<128x128xf32, #tpu.memory_space<vmem>>, vector<1x16xf32>,
        %get3A_146 = vector.shape_cast %get3A_145 : vector<1x16xf32> to vector<16xf32>
        %get3A_147 = arith.index_cast %scan3A_59 : i32 to index
        %get3A_148 = arith.constant 96 : index
        %get3A_149 = tpu.vector_load %arg18[%get3A_147, %get3A_148] {strides = array<i32>} : memref<128x128xf32, #tpu.memory_space<vmem>>, vector<1x16xf32>,
        %get3A_150 = vector.shape_cast %get3A_149 : vector<1x16xf32> to vector<16xf32>
        %mul3A_151 = arith.mulf %get3A_146, %get3A_150 : vector<16xf32>
        %swap3A_152 = arith.index_cast %scan3A_59 : i32 to index
        %swap3A_153 = arith.constant 96 : index
        %swap3A_154 = tpu.vector_load %arg17[%swap3A_152, %swap3A_153] {strides = array<i32>} : memref<128x128xf32, #tpu.memory_space<vmem>>, vector<1x16xf32>,
        %swap3A_155 = vector.shape_cast %swap3A_154 : vector<1x16xf32> to vector<16xf32>
        %swap3A_156 = vector.shape_cast %mul3A_151 : vector<16xf32> to vector<1x16xf32>
        tpu.vector_store %arg17[%swap3A_152, %swap3A_153], %swap3A_156 {strides = array<i32>} : memref<128x128xf32, #tpu.memory_space<vmem>>, vector<1x16xf32>,
        %get3A_157 = arith.index_cast %scan3A_59 : i32 to index
        %get3A_158 = arith.constant 112 : index
        %get3A_159 = tpu.vector_load %arg17[%get3A_157, %get3A_158] {strides = array<i32>} : memref<128x128xf32, #tpu.memory_space<vmem>>, vector<1x16xf32>,
        %get3A_160 = vector.shape_cast %get3A_159 : vector<1x16xf32> to vector<16xf32>
        %get3A_161 = arith.index_cast %scan3A_59 : i32 to index
        %get3A_162 = arith.constant 112 : index
        %get3A_163 = tpu.vector_load %arg18[%get3A_161, %get3A_162] {strides = array<i32>} : memref<128x128xf32, #tpu.memory_space<vmem>>, vector<1x16xf32>,
        %get3A_164 = vector.shape_cast %get3A_163 : vector<1x16xf32> to vector<16xf32>
        %mul3A_165 = arith.mulf %get3A_160, %get3A_164 : vector<16xf32>
        %swap3A_166 = arith.index_cast %scan3A_59 : i32 to index
        %swap3A_167 = arith.constant 112 : index
        %swap3A_168 = tpu.vector_load %arg17[%swap3A_166, %swap3A_167] {strides = array<i32>} : memref<128x128xf32, #tpu.memory_space<vmem>>, vector<1x16xf32>,
        %swap3A_169 = vector.shape_cast %swap3A_168 : vector<1x16xf32> to vector<16xf32>
        %swap3A_170 = vector.shape_cast %mul3A_165 : vector<16xf32> to vector<1x16xf32>
        tpu.vector_store %arg17[%swap3A_166, %swap3A_167], %swap3A_170 {strides = array<i32>} : memref<128x128xf32, #tpu.memory_space<vmem>>, vector<1x16xf32>,
        %scan3A_171 = arith.constant 0 : i32
        scf.yield %scan3A_171 : i32
      }
      %scan3A_57 = arith.constant 128 : i32
      "tpu.region"() ({
        %run_scoped3A_59 = tpu.sem_alloc : memref<!tpu.dma_semaphore, #tpu.memory_space<semaphore_mem>>
        %dma_start3A_60 = arith.constant 0 : i32
        %dma_start3A_61 = arith.constant 0 : i32
        %dma_start3A_62 = tpu.memref_slice %arg20[%dma_start3A_60, %dma_start3A_61] : memref<10112x128xf32, #tpu.memory_space<vmem_shared>> -> memref<10112x128xf32, #tpu.memory_space<vmem_shared>>
        tpu.enqueue_indirect_dma source(%arg17 : memref<128x128xf32, #tpu.memory_space<vmem>>) target(%dma_start3A_62 : memref<10112x128xf32, #tpu.memory_space<vmem_shared>>) offsets(%arg16 : memref<128xi32, #tpu.memory_space<vmem>>) semaphore(%run_scoped3A_59 : memref<!tpu.dma_semaphore, #tpu.memory_space<semaphore_mem>>) {add = true}
        %dma_wait3A_63 = arith.constant 0 : i32
        %dma_wait3A_64 = arith.constant 0 : i32
        %dma_wait3A_65 = tpu.memref_slice %arg20[%dma_wait3A_63, %dma_wait3A_64] : memref<10112x128xf32, #tpu.memory_space<vmem_shared>> -> memref<10112x128xf32, #tpu.memory_space<vmem_shared>>
        tpu.wait_indirect_dma semaphore(%run_scoped3A_59 : memref<!tpu.dma_semaphore, #tpu.memory_space<semaphore_mem>>) src(%arg17 : memref<128x128xf32, #tpu.memory_space<vmem>>) dst(%dma_wait3A_65 : memref<10112x128xf32, #tpu.memory_space<vmem_shared>>)
        tpu.yield
      }) : () -> ()
      %scan3A_58 = arith.constant 0 : i32
      scf.yield %scan3A_58 : i32
    }
    %scan3A_8 = arith.constant 40 : i32
    %barrier3A_9 = arith.constant 0 : index
    tpu.barrier barrier_id(%barrier3A_9)
    %run_scoped3A = arith.constant 0 : i32
    "tpu.region"() ({
      %run_scoped3A_40 = tpu.sem_alloc : memref<!tpu.dma_semaphore, #tpu.memory_space<semaphore_mem>>
      %dma_start3A = arith.constant 0 : i32
      %dma_start3A_41 = tpu.memref_slice %arg14[%run_scoped3A, %arg0, %mul3A_2, %dma_start3A] : memref<4x2x10112x128xf32, #tpu.memory_space<hbm>> -> memref<1x1x632x128xf32, #tpu.memory_space<hbm>>
      %dma_start3A_42 = tpu.memref_squeeze %dma_start3A_41 : memref<1x1x632x128xf32, #tpu.memory_space<hbm>> -> memref<632x128xf32, #tpu.memory_space<hbm>>
      %dma_start3A_43 = arith.constant 0 : i32
      %dma_start3A_44 = tpu.memref_slice %arg20[%mul3A_2, %dma_start3A_43] : memref<10112x128xf32, #tpu.memory_space<vmem_shared>> -> memref<632x128xf32, #tpu.memory_space<vmem_shared>>
      tpu.enqueue_dma source(%dma_start3A_44 : memref<632x128xf32, #tpu.memory_space<vmem_shared>>) target(%dma_start3A_42 : memref<632x128xf32, #tpu.memory_space<hbm>>) target_semaphore(%run_scoped3A_40 : memref<!tpu.dma_semaphore, #tpu.memory_space<semaphore_mem>>)
      %dma_wait3A = arith.constant 0 : i32
      %dma_wait3A_45 = tpu.memref_slice %arg14[%run_scoped3A, %arg0, %mul3A_2, %dma_wait3A] : memref<4x2x10112x128xf32, #tpu.memory_space<hbm>> -> memref<1x1x632x128xf32, #tpu.memory_space<hbm>>
      %dma_wait3A_46 = tpu.memref_squeeze %dma_wait3A_45 : memref<1x1x632x128xf32, #tpu.memory_space<hbm>> -> memref<632x128xf32, #tpu.memory_space<hbm>>
      %dma_wait3A_47 = arith.constant 0 : i32
      %dma_wait3A_48 = tpu.memref_slice %arg20[%mul3A_2, %dma_wait3A_47] : memref<10112x128xf32, #tpu.memory_space<vmem_shared>> -> memref<632x128xf32, #tpu.memory_space<vmem_shared>>
      tpu.wait_dma2 semaphore(%run_scoped3A_40 : memref<!tpu.dma_semaphore, #tpu.memory_space<semaphore_mem>>) src(%dma_wait3A_48 : memref<632x128xf32, #tpu.memory_space<vmem_shared>>) dst(%dma_wait3A_46 : memref<632x128xf32, #tpu.memory_space<hbm>>)
      tpu.yield
    }) : () -> ()
    "tpu.region"() ({
      %run_scoped3A_40 = tpu.sem_alloc : memref<!tpu.dma_semaphore, #tpu.memory_space<semaphore_mem>>
      %dma_start3A = arith.constant 0 : i32
      %dma_start3A_41 = tpu.memref_slice %arg20[%mul3A_2, %dma_start3A] : memref<10112x128xf32, #tpu.memory_space<vmem_shared>> -> memref<632x128xf32, #tpu.memory_space<vmem_shared>>
      %dma_start3A_42 = arith.constant 0 : i32
      %dma_start3A_43 = tpu.memref_slice %arg13[%mul3A_2, %dma_start3A_42] : memref<10112x128xf32, #tpu.memory_space<hbm>> -> memref<632x128xf32, #tpu.memory_space<hbm>>
      tpu.enqueue_dma source(%dma_start3A_43 : memref<632x128xf32, #tpu.memory_space<hbm>>) target(%dma_start3A_41 : memref<632x128xf32, #tpu.memory_space<vmem_shared>>) target_semaphore(%run_scoped3A_40 : memref<!tpu.dma_semaphore, #tpu.memory_space<semaphore_mem>>)
      %dma_wait3A = arith.constant 0 : i32
      %dma_wait3A_44 = tpu.memref_slice %arg20[%mul3A_2, %dma_wait3A] : memref<10112x128xf32, #tpu.memory_space<vmem_shared>> -> memref<632x128xf32, #tpu.memory_space<vmem_shared>>
      %dma_wait3A_45 = arith.constant 0 : i32
      %dma_wait3A_46 = tpu.memref_slice %arg13[%mul3A_2, %dma_wait3A_45] : memref<10112x128xf32, #tpu.memory_space<hbm>> -> memref<632x128xf32, #tpu.memory_space<hbm>>
      tpu.wait_dma2 semaphore(%run_scoped3A_40 : memref<!tpu.dma_semaphore, #tpu.memory_space<semaphore_mem>>) src(%dma_wait3A_46 : memref<632x128xf32, #tpu.memory_space<hbm>>) dst(%dma_wait3A_44 : memref<632x128xf32, #tpu.memory_space<vmem_shared>>)
      tpu.yield
    }) : () -> ()
    %barrier3A_10 = arith.constant 0 : index
    tpu.barrier barrier_id(%barrier3A_10)
    %scan3A_11 = arith.constant 0 : i32
    %scan3A_12 = arith.constant 0 : i32
    %scan3A_13 = arith.constant 40 : i32
    %scan3A_14 = arith.addi %scan3A_12, %scan3A_13 : i32
    %scan3A_15 = arith.constant 1 : i32
    %scan3A_16 = scf.for %scan3A_40 = %scan3A_12 to %scan3A_14 step %scan3A_15 iter_args(%scan3A_41 = %scan3A_11) -> (i32)  : i32 {
      %mul3A_42 = arith.constant 32 : i32
      %mul3A_43 = arith.muli %scan3A_40, %mul3A_42 : i32
      %add3A_44 = arith.addi %add3A, %mul3A_43 : i32
      %mul3A_45 = arith.constant 128 : i32
      %mul3A_46 = arith.muli %add3A_44, %mul3A_45 : i32
      "tpu.region"() ({
        %run_scoped3A_59 = tpu.sem_alloc : memref<!tpu.dma_semaphore, #tpu.memory_space<semaphore_mem>>
        %dma_start3A_60 = arith.constant 0 : i32
        %dma_start3A_61 = tpu.memref_slice %arg6[%add3A_44, %dma_start3A_60] : memref<1280x128xi32, #tpu.memory_space<hbm>> -> memref<1x128xi32, #tpu.memory_space<hbm>>
        %dma_start3A_62 = tpu.memref_squeeze %dma_start3A_61 : memref<1x128xi32, #tpu.memory_space<hbm>> -> memref<128xi32, #tpu.memory_space<hbm>>
        %dma_start3A_63 = arith.constant 0 : i32
        %dma_start3A_64 = tpu.memref_slice %arg6[%add3A_44, %dma_start3A_63] : memref<1280x128xi32, #tpu.memory_space<hbm>> -> memref<1x128xi32, #tpu.memory_space<hbm>>
        %dma_start3A_65 = tpu.memref_squeeze %dma_start3A_64 : memref<1x128xi32, #tpu.memory_space<hbm>> -> memref<128xi32, #tpu.memory_space<hbm>>
        tpu.enqueue_dma source(%dma_start3A_65 : memref<128xi32, #tpu.memory_space<hbm>>) target(%arg15 : memref<128xi32, #tpu.memory_space<vmem>>) target_semaphore(%run_scoped3A_59 : memref<!tpu.dma_semaphore, #tpu.memory_space<semaphore_mem>>)
        %dma_wait3A_66 = arith.constant 0 : i32
        %dma_wait3A_67 = tpu.memref_slice %arg6[%add3A_44, %dma_wait3A_66] : memref<1280x128xi32, #tpu.memory_space<hbm>> -> memref<1x128xi32, #tpu.memory_space<hbm>>
        %dma_wait3A_68 = tpu.memref_squeeze %dma_wait3A_67 : memref<1x128xi32, #tpu.memory_space<hbm>> -> memref<128xi32, #tpu.memory_space<hbm>>
        %dma_wait3A_69 = arith.constant 0 : i32
        %dma_wait3A_70 = tpu.memref_slice %arg6[%add3A_44, %dma_wait3A_69] : memref<1280x128xi32, #tpu.memory_space<hbm>> -> memref<1x128xi32, #tpu.memory_space<hbm>>
        %dma_wait3A_71 = tpu.memref_squeeze %dma_wait3A_70 : memref<1x128xi32, #tpu.memory_space<hbm>> -> memref<128xi32, #tpu.memory_space<hbm>>
        tpu.wait_dma2 semaphore(%run_scoped3A_59 : memref<!tpu.dma_semaphore, #tpu.memory_space<semaphore_mem>>) src(%dma_wait3A_71 : memref<128xi32, #tpu.memory_space<hbm>>) dst(%arg15 : memref<128xi32, #tpu.memory_space<vmem>>)
        tpu.yield
      }) : () -> ()
      "tpu.region"() ({
        %run_scoped3A_59 = tpu.sem_alloc : memref<!tpu.dma_semaphore, #tpu.memory_space<semaphore_mem>>
        %dma_start3A_60 = arith.constant 0 : i32
        %dma_start3A_61 = tpu.memref_slice %arg7[%add3A_44, %dma_start3A_60] : memref<1280x128xi32, #tpu.memory_space<hbm>> -> memref<1x128xi32, #tpu.memory_space<hbm>>
        %dma_start3A_62 = tpu.memref_squeeze %dma_start3A_61 : memref<1x128xi32, #tpu.memory_space<hbm>> -> memref<128xi32, #tpu.memory_space<hbm>>
        %dma_start3A_63 = arith.constant 0 : i32
        %dma_start3A_64 = tpu.memref_slice %arg7[%add3A_44, %dma_start3A_63] : memref<1280x128xi32, #tpu.memory_space<hbm>> -> memref<1x128xi32, #tpu.memory_space<hbm>>
        %dma_start3A_65 = tpu.memref_squeeze %dma_start3A_64 : memref<1x128xi32, #tpu.memory_space<hbm>> -> memref<128xi32, #tpu.memory_space<hbm>>
        tpu.enqueue_dma source(%dma_start3A_65 : memref<128xi32, #tpu.memory_space<hbm>>) target(%arg16 : memref<128xi32, #tpu.memory_space<vmem>>) target_semaphore(%run_scoped3A_59 : memref<!tpu.dma_semaphore, #tpu.memory_space<semaphore_mem>>)
        %dma_wait3A_66 = arith.constant 0 : i32
        %dma_wait3A_67 = tpu.memref_slice %arg7[%add3A_44, %dma_wait3A_66] : memref<1280x128xi32, #tpu.memory_space<hbm>> -> memref<1x128xi32, #tpu.memory_space<hbm>>
        %dma_wait3A_68 = tpu.memref_squeeze %dma_wait3A_67 : memref<1x128xi32, #tpu.memory_space<hbm>> -> memref<128xi32, #tpu.memory_space<hbm>>
        %dma_wait3A_69 = arith.constant 0 : i32
        %dma_wait3A_70 = tpu.memref_slice %arg7[%add3A_44, %dma_wait3A_69] : memref<1280x128xi32, #tpu.memory_space<hbm>> -> memref<1x128xi32, #tpu.memory_space<hbm>>
        %dma_wait3A_71 = tpu.memref_squeeze %dma_wait3A_70 : memref<1x128xi32, #tpu.memory_space<hbm>> -> memref<128xi32, #tpu.memory_space<hbm>>
        tpu.wait_dma2 semaphore(%run_scoped3A_59 : memref<!tpu.dma_semaphore, #tpu.memory_space<semaphore_mem>>) src(%dma_wait3A_71 : memref<128xi32, #tpu.memory_space<hbm>>) dst(%arg16 : memref<128xi32, #tpu.memory_space<vmem>>)
        tpu.yield
      }) : () -> ()
      %dma_start3A = arith.constant 0 : i32
      %dma_start3A_47 = arith.constant 0 : i32
      %dma_start3A_48 = tpu.memref_slice %arg3[%dma_start3A, %dma_start3A_47] : memref<10000x128xf32, #tpu.memory_space<hbm>> -> memref<10000x128xf32, #tpu.memory_space<hbm>>
      tpu.enqueue_indirect_dma source(%dma_start3A_48 : memref<10000x128xf32, #tpu.memory_space<hbm>>) target(%arg17 : memref<128x128xf32, #tpu.memory_space<vmem>>) offsets(%arg15 : memref<128xi32, #tpu.memory_space<vmem>>) semaphore(%arg21 : memref<!tpu.dma_semaphore, #tpu.memory_space<semaphore_mem>>)
      "tpu.region"() ({
        %run_scoped3A_59 = tpu.sem_alloc : memref<!tpu.dma_semaphore, #tpu.memory_space<semaphore_mem>>
        %dma_start3A_60 = arith.constant 0 : i32
        %dma_start3A_61 = tpu.memref_slice %arg9[%mul3A_46, %dma_start3A_60] : memref<163840x128xf32, #tpu.memory_space<hbm>> -> memref<128x128xf32, #tpu.memory_space<hbm>>
        %dma_start3A_62 = arith.constant 0 : i32
        %dma_start3A_63 = tpu.memref_slice %arg9[%mul3A_46, %dma_start3A_62] : memref<163840x128xf32, #tpu.memory_space<hbm>> -> memref<128x128xf32, #tpu.memory_space<hbm>>
        tpu.enqueue_dma source(%dma_start3A_63 : memref<128x128xf32, #tpu.memory_space<hbm>>) target(%arg18 : memref<128x128xf32, #tpu.memory_space<vmem>>) target_semaphore(%run_scoped3A_59 : memref<!tpu.dma_semaphore, #tpu.memory_space<semaphore_mem>>)
        %dma_wait3A_64 = arith.constant 0 : i32
        %dma_wait3A_65 = tpu.memref_slice %arg9[%mul3A_46, %dma_wait3A_64] : memref<163840x128xf32, #tpu.memory_space<hbm>> -> memref<128x128xf32, #tpu.memory_space<hbm>>
        %dma_wait3A_66 = arith.constant 0 : i32
        %dma_wait3A_67 = tpu.memref_slice %arg9[%mul3A_46, %dma_wait3A_66] : memref<163840x128xf32, #tpu.memory_space<hbm>> -> memref<128x128xf32, #tpu.memory_space<hbm>>
        tpu.wait_dma2 semaphore(%run_scoped3A_59 : memref<!tpu.dma_semaphore, #tpu.memory_space<semaphore_mem>>) src(%dma_wait3A_67 : memref<128x128xf32, #tpu.memory_space<hbm>>) dst(%arg18 : memref<128x128xf32, #tpu.memory_space<vmem>>)
        tpu.yield
      }) : () -> ()
      "tpu.region"() ({
        %run_scoped3A_59 = tpu.sem_alloc : memref<!tpu.dma_semaphore, #tpu.memory_space<semaphore_mem>>
        %dma_start3A_60 = arith.constant 0 : i32
        %dma_start3A_61 = tpu.memref_slice %arg10[%mul3A_46, %dma_start3A_60] : memref<163840x128xf32, #tpu.memory_space<hbm>> -> memref<128x128xf32, #tpu.memory_space<hbm>>
        %dma_start3A_62 = arith.constant 0 : i32
        %dma_start3A_63 = tpu.memref_slice %arg10[%mul3A_46, %dma_start3A_62] : memref<163840x128xf32, #tpu.memory_space<hbm>> -> memref<128x128xf32, #tpu.memory_space<hbm>>
        tpu.enqueue_dma source(%dma_start3A_63 : memref<128x128xf32, #tpu.memory_space<hbm>>) target(%arg19 : memref<128x128xf32, #tpu.memory_space<vmem>>) target_semaphore(%run_scoped3A_59 : memref<!tpu.dma_semaphore, #tpu.memory_space<semaphore_mem>>)
        %dma_wait3A_64 = arith.constant 0 : i32
        %dma_wait3A_65 = tpu.memref_slice %arg10[%mul3A_46, %dma_wait3A_64] : memref<163840x128xf32, #tpu.memory_space<hbm>> -> memref<128x128xf32, #tpu.memory_space<hbm>>
        %dma_wait3A_66 = arith.constant 0 : i32
        %dma_wait3A_67 = tpu.memref_slice %arg10[%mul3A_46, %dma_wait3A_66] : memref<163840x128xf32, #tpu.memory_space<hbm>> -> memref<128x128xf32, #tpu.memory_space<hbm>>
        tpu.wait_dma2 semaphore(%run_scoped3A_59 : memref<!tpu.dma_semaphore, #tpu.memory_space<semaphore_mem>>) src(%dma_wait3A_67 : memref<128x128xf32, #tpu.memory_space<hbm>>) dst(%arg19 : memref<128x128xf32, #tpu.memory_space<vmem>>)
        tpu.yield
      }) : () -> ()
      %dma_wait3A = arith.constant 0 : i32
      %dma_wait3A_49 = arith.constant 0 : i32
      %dma_wait3A_50 = tpu.memref_slice %arg3[%dma_wait3A, %dma_wait3A_49] : memref<10000x128xf32, #tpu.memory_space<hbm>> -> memref<10000x128xf32, #tpu.memory_space<hbm>>
      tpu.wait_indirect_dma semaphore(%arg21 : memref<!tpu.dma_semaphore, #tpu.memory_space<semaphore_mem>>) src(%dma_wait3A_50 : memref<10000x128xf32, #tpu.memory_space<hbm>>) dst(%arg17 : memref<128x128xf32, #tpu.memory_space<vmem>>)
      %scan3A_51 = arith.constant 0 : i32
      %scan3A_52 = arith.constant 0 : i32
      %scan3A_53 = arith.constant 128 : i32
      %scan3A_54 = arith.addi %scan3A_52, %scan3A_53 : i32
      %scan3A_55 = arith.constant 1 : i32
      %scan3A_56 = scf.for %scan3A_59 = %scan3A_52 to %scan3A_54 step %scan3A_55 iter_args(%scan3A_60 = %scan3A_51) -> (i32)  : i32 {
        %get3A = arith.index_cast %scan3A_59 : i32 to index
        %get3A_61 = arith.constant 0 : index
        %get3A_62 = tpu.vector_load %arg17[%get3A, %get3A_61] {strides = array<i32>} : memref<128x128xf32, #tpu.memory_space<vmem>>, vector<1x16xf32>,
        %get3A_63 = vector.shape_cast %get3A_62 : vector<1x16xf32> to vector<16xf32>
        %get3A_64 = arith.index_cast %scan3A_59 : i32 to index
        %get3A_65 = arith.constant 0 : index
        %get3A_66 = tpu.vector_load %arg18[%get3A_64, %get3A_65] {strides = array<i32>} : memref<128x128xf32, #tpu.memory_space<vmem>>, vector<1x16xf32>,
        %get3A_67 = vector.shape_cast %get3A_66 : vector<1x16xf32> to vector<16xf32>
        %mul3A_68 = arith.mulf %get3A_63, %get3A_67 : vector<16xf32>
        %get3A_69 = arith.index_cast %scan3A_59 : i32 to index
        %get3A_70 = arith.constant 0 : index
        %get3A_71 = tpu.vector_load %arg19[%get3A_69, %get3A_70] {strides = array<i32>} : memref<128x128xf32, #tpu.memory_space<vmem>>, vector<1x16xf32>,
        %get3A_72 = vector.shape_cast %get3A_71 : vector<1x16xf32> to vector<16xf32>
        %add3A_73 = arith.addf %mul3A_68, %get3A_72 : vector<16xf32>
        %swap3A = arith.index_cast %scan3A_59 : i32 to index
        %swap3A_74 = arith.constant 0 : index
        %swap3A_75 = tpu.vector_load %arg17[%swap3A, %swap3A_74] {strides = array<i32>} : memref<128x128xf32, #tpu.memory_space<vmem>>, vector<1x16xf32>,
        %swap3A_76 = vector.shape_cast %swap3A_75 : vector<1x16xf32> to vector<16xf32>
        %swap3A_77 = vector.shape_cast %add3A_73 : vector<16xf32> to vector<1x16xf32>
        tpu.vector_store %arg17[%swap3A, %swap3A_74], %swap3A_77 {strides = array<i32>} : memref<128x128xf32, #tpu.memory_space<vmem>>, vector<1x16xf32>,
        %get3A_78 = arith.index_cast %scan3A_59 : i32 to index
        %get3A_79 = arith.constant 16 : index
        %get3A_80 = tpu.vector_load %arg17[%get3A_78, %get3A_79] {strides = array<i32>} : memref<128x128xf32, #tpu.memory_space<vmem>>, vector<1x16xf32>,
        %get3A_81 = vector.shape_cast %get3A_80 : vector<1x16xf32> to vector<16xf32>
        %get3A_82 = arith.index_cast %scan3A_59 : i32 to index
        %get3A_83 = arith.constant 16 : index
        %get3A_84 = tpu.vector_load %arg18[%get3A_82, %get3A_83] {strides = array<i32>} : memref<128x128xf32, #tpu.memory_space<vmem>>, vector<1x16xf32>,
        %get3A_85 = vector.shape_cast %get3A_84 : vector<1x16xf32> to vector<16xf32>
        %mul3A_86 = arith.mulf %get3A_81, %get3A_85 : vector<16xf32>
        %get3A_87 = arith.index_cast %scan3A_59 : i32 to index
        %get3A_88 = arith.constant 16 : index
        %get3A_89 = tpu.vector_load %arg19[%get3A_87, %get3A_88] {strides = array<i32>} : memref<128x128xf32, #tpu.memory_space<vmem>>, vector<1x16xf32>,
        %get3A_90 = vector.shape_cast %get3A_89 : vector<1x16xf32> to vector<16xf32>
        %add3A_91 = arith.addf %mul3A_86, %get3A_90 : vector<16xf32>
        %swap3A_92 = arith.index_cast %scan3A_59 : i32 to index
        %swap3A_93 = arith.constant 16 : index
        %swap3A_94 = tpu.vector_load %arg17[%swap3A_92, %swap3A_93] {strides = array<i32>} : memref<128x128xf32, #tpu.memory_space<vmem>>, vector<1x16xf32>,
        %swap3A_95 = vector.shape_cast %swap3A_94 : vector<1x16xf32> to vector<16xf32>
        %swap3A_96 = vector.shape_cast %add3A_91 : vector<16xf32> to vector<1x16xf32>
        tpu.vector_store %arg17[%swap3A_92, %swap3A_93], %swap3A_96 {strides = array<i32>} : memref<128x128xf32, #tpu.memory_space<vmem>>, vector<1x16xf32>,
        %get3A_97 = arith.index_cast %scan3A_59 : i32 to index
        %get3A_98 = arith.constant 32 : index
        %get3A_99 = tpu.vector_load %arg17[%get3A_97, %get3A_98] {strides = array<i32>} : memref<128x128xf32, #tpu.memory_space<vmem>>, vector<1x16xf32>,
        %get3A_100 = vector.shape_cast %get3A_99 : vector<1x16xf32> to vector<16xf32>
        %get3A_101 = arith.index_cast %scan3A_59 : i32 to index
        %get3A_102 = arith.constant 32 : index
        %get3A_103 = tpu.vector_load %arg18[%get3A_101, %get3A_102] {strides = array<i32>} : memref<128x128xf32, #tpu.memory_space<vmem>>, vector<1x16xf32>,
        %get3A_104 = vector.shape_cast %get3A_103 : vector<1x16xf32> to vector<16xf32>
        %mul3A_105 = arith.mulf %get3A_100, %get3A_104 : vector<16xf32>
        %get3A_106 = arith.index_cast %scan3A_59 : i32 to index
        %get3A_107 = arith.constant 32 : index
        %get3A_108 = tpu.vector_load %arg19[%get3A_106, %get3A_107] {strides = array<i32>} : memref<128x128xf32, #tpu.memory_space<vmem>>, vector<1x16xf32>,
        %get3A_109 = vector.shape_cast %get3A_108 : vector<1x16xf32> to vector<16xf32>
        %add3A_110 = arith.addf %mul3A_105, %get3A_109 : vector<16xf32>
        %swap3A_111 = arith.index_cast %scan3A_59 : i32 to index
        %swap3A_112 = arith.constant 32 : index
        %swap3A_113 = tpu.vector_load %arg17[%swap3A_111, %swap3A_112] {strides = array<i32>} : memref<128x128xf32, #tpu.memory_space<vmem>>, vector<1x16xf32>,
        %swap3A_114 = vector.shape_cast %swap3A_113 : vector<1x16xf32> to vector<16xf32>
        %swap3A_115 = vector.shape_cast %add3A_110 : vector<16xf32> to vector<1x16xf32>
        tpu.vector_store %arg17[%swap3A_111, %swap3A_112], %swap3A_115 {strides = array<i32>} : memref<128x128xf32, #tpu.memory_space<vmem>>, vector<1x16xf32>,
        %get3A_116 = arith.index_cast %scan3A_59 : i32 to index
        %get3A_117 = arith.constant 48 : index
        %get3A_118 = tpu.vector_load %arg17[%get3A_116, %get3A_117] {strides = array<i32>} : memref<128x128xf32, #tpu.memory_space<vmem>>, vector<1x16xf32>,
        %get3A_119 = vector.shape_cast %get3A_118 : vector<1x16xf32> to vector<16xf32>
        %get3A_120 = arith.index_cast %scan3A_59 : i32 to index
        %get3A_121 = arith.constant 48 : index
        %get3A_122 = tpu.vector_load %arg18[%get3A_120, %get3A_121] {strides = array<i32>} : memref<128x128xf32, #tpu.memory_space<vmem>>, vector<1x16xf32>,
        %get3A_123 = vector.shape_cast %get3A_122 : vector<1x16xf32> to vector<16xf32>
        %mul3A_124 = arith.mulf %get3A_119, %get3A_123 : vector<16xf32>
        %get3A_125 = arith.index_cast %scan3A_59 : i32 to index
        %get3A_126 = arith.constant 48 : index
        %get3A_127 = tpu.vector_load %arg19[%get3A_125, %get3A_126] {strides = array<i32>} : memref<128x128xf32, #tpu.memory_space<vmem>>, vector<1x16xf32>,
        %get3A_128 = vector.shape_cast %get3A_127 : vector<1x16xf32> to vector<16xf32>
        %add3A_129 = arith.addf %mul3A_124, %get3A_128 : vector<16xf32>
        %swap3A_130 = arith.index_cast %scan3A_59 : i32 to index
        %swap3A_131 = arith.constant 48 : index
        %swap3A_132 = tpu.vector_load %arg17[%swap3A_130, %swap3A_131] {strides = array<i32>} : memref<128x128xf32, #tpu.memory_space<vmem>>, vector<1x16xf32>,
        %swap3A_133 = vector.shape_cast %swap3A_132 : vector<1x16xf32> to vector<16xf32>
        %swap3A_134 = vector.shape_cast %add3A_129 : vector<16xf32> to vector<1x16xf32>
        tpu.vector_store %arg17[%swap3A_130, %swap3A_131], %swap3A_134 {strides = array<i32>} : memref<128x128xf32, #tpu.memory_space<vmem>>, vector<1x16xf32>,
        %get3A_135 = arith.index_cast %scan3A_59 : i32 to index
        %get3A_136 = arith.constant 64 : index
        %get3A_137 = tpu.vector_load %arg17[%get3A_135, %get3A_136] {strides = array<i32>} : memref<128x128xf32, #tpu.memory_space<vmem>>, vector<1x16xf32>,
        %get3A_138 = vector.shape_cast %get3A_137 : vector<1x16xf32> to vector<16xf32>
        %get3A_139 = arith.index_cast %scan3A_59 : i32 to index
        %get3A_140 = arith.constant 64 : index
        %get3A_141 = tpu.vector_load %arg18[%get3A_139, %get3A_140] {strides = array<i32>} : memref<128x128xf32, #tpu.memory_space<vmem>>, vector<1x16xf32>,
        %get3A_142 = vector.shape_cast %get3A_141 : vector<1x16xf32> to vector<16xf32>
        %mul3A_143 = arith.mulf %get3A_138, %get3A_142 : vector<16xf32>
        %get3A_144 = arith.index_cast %scan3A_59 : i32 to index
        %get3A_145 = arith.constant 64 : index
        %get3A_146 = tpu.vector_load %arg19[%get3A_144, %get3A_145] {strides = array<i32>} : memref<128x128xf32, #tpu.memory_space<vmem>>, vector<1x16xf32>,
        %get3A_147 = vector.shape_cast %get3A_146 : vector<1x16xf32> to vector<16xf32>
        %add3A_148 = arith.addf %mul3A_143, %get3A_147 : vector<16xf32>
        %swap3A_149 = arith.index_cast %scan3A_59 : i32 to index
        %swap3A_150 = arith.constant 64 : index
        %swap3A_151 = tpu.vector_load %arg17[%swap3A_149, %swap3A_150] {strides = array<i32>} : memref<128x128xf32, #tpu.memory_space<vmem>>, vector<1x16xf32>,
        %swap3A_152 = vector.shape_cast %swap3A_151 : vector<1x16xf32> to vector<16xf32>
        %swap3A_153 = vector.shape_cast %add3A_148 : vector<16xf32> to vector<1x16xf32>
        tpu.vector_store %arg17[%swap3A_149, %swap3A_150], %swap3A_153 {strides = array<i32>} : memref<128x128xf32, #tpu.memory_space<vmem>>, vector<1x16xf32>,
        %get3A_154 = arith.index_cast %scan3A_59 : i32 to index
        %get3A_155 = arith.constant 80 : index
        %get3A_156 = tpu.vector_load %arg17[%get3A_154, %get3A_155] {strides = array<i32>} : memref<128x128xf32, #tpu.memory_space<vmem>>, vector<1x16xf32>,
        %get3A_157 = vector.shape_cast %get3A_156 : vector<1x16xf32> to vector<16xf32>
        %get3A_158 = arith.index_cast %scan3A_59 : i32 to index
        %get3A_159 = arith.constant 80 : index
        %get3A_160 = tpu.vector_load %arg18[%get3A_158, %get3A_159] {strides = array<i32>} : memref<128x128xf32, #tpu.memory_space<vmem>>, vector<1x16xf32>,
        %get3A_161 = vector.shape_cast %get3A_160 : vector<1x16xf32> to vector<16xf32>
        %mul3A_162 = arith.mulf %get3A_157, %get3A_161 : vector<16xf32>
        %get3A_163 = arith.index_cast %scan3A_59 : i32 to index
        %get3A_164 = arith.constant 80 : index
        %get3A_165 = tpu.vector_load %arg19[%get3A_163, %get3A_164] {strides = array<i32>} : memref<128x128xf32, #tpu.memory_space<vmem>>, vector<1x16xf32>,
        %get3A_166 = vector.shape_cast %get3A_165 : vector<1x16xf32> to vector<16xf32>
        %add3A_167 = arith.addf %mul3A_162, %get3A_166 : vector<16xf32>
        %swap3A_168 = arith.index_cast %scan3A_59 : i32 to index
        %swap3A_169 = arith.constant 80 : index
        %swap3A_170 = tpu.vector_load %arg17[%swap3A_168, %swap3A_169] {strides = array<i32>} : memref<128x128xf32, #tpu.memory_space<vmem>>, vector<1x16xf32>,
        %swap3A_171 = vector.shape_cast %swap3A_170 : vector<1x16xf32> to vector<16xf32>
        %swap3A_172 = vector.shape_cast %add3A_167 : vector<16xf32> to vector<1x16xf32>
        tpu.vector_store %arg17[%swap3A_168, %swap3A_169], %swap3A_172 {strides = array<i32>} : memref<128x128xf32, #tpu.memory_space<vmem>>, vector<1x16xf32>,
        %get3A_173 = arith.index_cast %scan3A_59 : i32 to index
        %get3A_174 = arith.constant 96 : index
        %get3A_175 = tpu.vector_load %arg17[%get3A_173, %get3A_174] {strides = array<i32>} : memref<128x128xf32, #tpu.memory_space<vmem>>, vector<1x16xf32>,
        %get3A_176 = vector.shape_cast %get3A_175 : vector<1x16xf32> to vector<16xf32>
        %get3A_177 = arith.index_cast %scan3A_59 : i32 to index
        %get3A_178 = arith.constant 96 : index
        %get3A_179 = tpu.vector_load %arg18[%get3A_177, %get3A_178] {strides = array<i32>} : memref<128x128xf32, #tpu.memory_space<vmem>>, vector<1x16xf32>,
        %get3A_180 = vector.shape_cast %get3A_179 : vector<1x16xf32> to vector<16xf32>
        %mul3A_181 = arith.mulf %get3A_176, %get3A_180 : vector<16xf32>
        %get3A_182 = arith.index_cast %scan3A_59 : i32 to index
        %get3A_183 = arith.constant 96 : index
        %get3A_184 = tpu.vector_load %arg19[%get3A_182, %get3A_183] {strides = array<i32>} : memref<128x128xf32, #tpu.memory_space<vmem>>, vector<1x16xf32>,
        %get3A_185 = vector.shape_cast %get3A_184 : vector<1x16xf32> to vector<16xf32>
        %add3A_186 = arith.addf %mul3A_181, %get3A_185 : vector<16xf32>
        %swap3A_187 = arith.index_cast %scan3A_59 : i32 to index
        %swap3A_188 = arith.constant 96 : index
        %swap3A_189 = tpu.vector_load %arg17[%swap3A_187, %swap3A_188] {strides = array<i32>} : memref<128x128xf32, #tpu.memory_space<vmem>>, vector<1x16xf32>,
        %swap3A_190 = vector.shape_cast %swap3A_189 : vector<1x16xf32> to vector<16xf32>
        %swap3A_191 = vector.shape_cast %add3A_186 : vector<16xf32> to vector<1x16xf32>
        tpu.vector_store %arg17[%swap3A_187, %swap3A_188], %swap3A_191 {strides = array<i32>} : memref<128x128xf32, #tpu.memory_space<vmem>>, vector<1x16xf32>,
        %get3A_192 = arith.index_cast %scan3A_59 : i32 to index
        %get3A_193 = arith.constant 112 : index
        %get3A_194 = tpu.vector_load %arg17[%get3A_192, %get3A_193] {strides = array<i32>} : memref<128x128xf32, #tpu.memory_space<vmem>>, vector<1x16xf32>,
        %get3A_195 = vector.shape_cast %get3A_194 : vector<1x16xf32> to vector<16xf32>
        %get3A_196 = arith.index_cast %scan3A_59 : i32 to index
        %get3A_197 = arith.constant 112 : index
        %get3A_198 = tpu.vector_load %arg18[%get3A_196, %get3A_197] {strides = array<i32>} : memref<128x128xf32, #tpu.memory_space<vmem>>, vector<1x16xf32>,
        %get3A_199 = vector.shape_cast %get3A_198 : vector<1x16xf32> to vector<16xf32>
        %mul3A_200 = arith.mulf %get3A_195, %get3A_199 : vector<16xf32>
        %get3A_201 = arith.index_cast %scan3A_59 : i32 to index
        %get3A_202 = arith.constant 112 : index
        %get3A_203 = tpu.vector_load %arg19[%get3A_201, %get3A_202] {strides = array<i32>} : memref<128x128xf32, #tpu.memory_space<vmem>>, vector<1x16xf32>,
        %get3A_204 = vector.shape_cast %get3A_203 : vector<1x16xf32> to vector<16xf32>
        %add3A_205 = arith.addf %mul3A_200, %get3A_204 : vector<16xf32>
        %swap3A_206 = arith.index_cast %scan3A_59 : i32 to index
        %swap3A_207 = arith.constant 112 : index
        %swap3A_208 = tpu.vector_load %arg17[%swap3A_206, %swap3A_207] {strides = array<i32>} : memref<128x128xf32, #tpu.memory_space<vmem>>, vector<1x16xf32>,
        %swap3A_209 = vector.shape_cast %swap3A_208 : vector<1x16xf32> to vector<16xf32>
        %swap3A_210 = vector.shape_cast %add3A_205 : vector<16xf32> to vector<1x16xf32>
        tpu.vector_store %arg17[%swap3A_206, %swap3A_207], %swap3A_210 {strides = array<i32>} : memref<128x128xf32, #tpu.memory_space<vmem>>, vector<1x16xf32>,
        %scan3A_211 = arith.constant 0 : i32
        scf.yield %scan3A_211 : i32
      }
      %scan3A_57 = arith.constant 128 : i32
      "tpu.region"() ({
        %run_scoped3A_59 = tpu.sem_alloc : memref<!tpu.dma_semaphore, #tpu.memory_space<semaphore_mem>>
        %dma_start3A_60 = arith.constant 0 : i32
        %dma_start3A_61 = arith.constant 0 : i32
        %dma_start3A_62 = tpu.memref_slice %arg20[%dma_start3A_60, %dma_start3A_61] : memref<10112x128xf32, #tpu.memory_space<vmem_shared>> -> memref<10112x128xf32, #tpu.memory_space<vmem_shared>>
        tpu.enqueue_indirect_dma source(%arg17 : memref<128x128xf32, #tpu.memory_space<vmem>>) target(%dma_start3A_62 : memref<10112x128xf32, #tpu.memory_space<vmem_shared>>) offsets(%arg16 : memref<128xi32, #tpu.memory_space<vmem>>) semaphore(%run_scoped3A_59 : memref<!tpu.dma_semaphore, #tpu.memory_space<semaphore_mem>>) {add = true}
        %dma_wait3A_63 = arith.constant 0 : i32
        %dma_wait3A_64 = arith.constant 0 : i32
        %dma_wait3A_65 = tpu.memref_slice %arg20[%dma_wait3A_63, %dma_wait3A_64] : memref<10112x128xf32, #tpu.memory_space<vmem_shared>> -> memref<10112x128xf32, #tpu.memory_space<vmem_shared>>
        tpu.wait_indirect_dma semaphore(%run_scoped3A_59 : memref<!tpu.dma_semaphore, #tpu.memory_space<semaphore_mem>>) src(%arg17 : memref<128x128xf32, #tpu.memory_space<vmem>>) dst(%dma_wait3A_65 : memref<10112x128xf32, #tpu.memory_space<vmem_shared>>)
        tpu.yield
      }) : () -> ()
      %scan3A_58 = arith.constant 0 : i32
      scf.yield %scan3A_58 : i32
    }
    %scan3A_17 = arith.constant 40 : i32
    %barrier3A_18 = arith.constant 0 : index
    tpu.barrier barrier_id(%barrier3A_18)
    %run_scoped3A_19 = arith.constant 1 : i32
    "tpu.region"() ({
      %run_scoped3A_40 = tpu.sem_alloc : memref<!tpu.dma_semaphore, #tpu.memory_space<semaphore_mem>>
      %dma_start3A = arith.constant 0 : i32
      %dma_start3A_41 = tpu.memref_slice %arg14[%run_scoped3A_19, %arg0, %mul3A_2, %dma_start3A] : memref<4x2x10112x128xf32, #tpu.memory_space<hbm>> -> memref<1x1x632x128xf32, #tpu.memory_space<hbm>>
      %dma_start3A_42 = tpu.memref_squeeze %dma_start3A_41 : memref<1x1x632x128xf32, #tpu.memory_space<hbm>> -> memref<632x128xf32, #tpu.memory_space<hbm>>
      %dma_start3A_43 = arith.constant 0 : i32
      %dma_start3A_44 = tpu.memref_slice %arg20[%mul3A_2, %dma_start3A_43] : memref<10112x128xf32, #tpu.memory_space<vmem_shared>> -> memref<632x128xf32, #tpu.memory_space<vmem_shared>>
      tpu.enqueue_dma source(%dma_start3A_44 : memref<632x128xf32, #tpu.memory_space<vmem_shared>>) target(%dma_start3A_42 : memref<632x128xf32, #tpu.memory_space<hbm>>) target_semaphore(%run_scoped3A_40 : memref<!tpu.dma_semaphore, #tpu.memory_space<semaphore_mem>>)
      %dma_wait3A = arith.constant 0 : i32
      %dma_wait3A_45 = tpu.memref_slice %arg14[%run_scoped3A_19, %arg0, %mul3A_2, %dma_wait3A] : memref<4x2x10112x128xf32, #tpu.memory_space<hbm>> -> memref<1x1x632x128xf32, #tpu.memory_space<hbm>>
      %dma_wait3A_46 = tpu.memref_squeeze %dma_wait3A_45 : memref<1x1x632x128xf32, #tpu.memory_space<hbm>> -> memref<632x128xf32, #tpu.memory_space<hbm>>
      %dma_wait3A_47 = arith.constant 0 : i32
      %dma_wait3A_48 = tpu.memref_slice %arg20[%mul3A_2, %dma_wait3A_47] : memref<10112x128xf32, #tpu.memory_space<vmem_shared>> -> memref<632x128xf32, #tpu.memory_space<vmem_shared>>
      tpu.wait_dma2 semaphore(%run_scoped3A_40 : memref<!tpu.dma_semaphore, #tpu.memory_space<semaphore_mem>>) src(%dma_wait3A_48 : memref<632x128xf32, #tpu.memory_space<vmem_shared>>) dst(%dma_wait3A_46 : memref<632x128xf32, #tpu.memory_space<hbm>>)
      tpu.yield
    }) : () -> ()
    "tpu.region"() ({
      %run_scoped3A_40 = tpu.sem_alloc : memref<!tpu.dma_semaphore, #tpu.memory_space<semaphore_mem>>
      %dma_start3A = arith.constant 0 : i32
      %dma_start3A_41 = tpu.memref_slice %arg20[%mul3A_2, %dma_start3A] : memref<10112x128xf32, #tpu.memory_space<vmem_shared>> -> memref<632x128xf32, #tpu.memory_space<vmem_shared>>
      %dma_start3A_42 = arith.constant 0 : i32
      %dma_start3A_43 = tpu.memref_slice %arg13[%mul3A_2, %dma_start3A_42] : memref<10112x128xf32, #tpu.memory_space<hbm>> -> memref<632x128xf32, #tpu.memory_space<hbm>>
      tpu.enqueue_dma source(%dma_start3A_43 : memref<632x128xf32, #tpu.memory_space<hbm>>) target(%dma_start3A_41 : memref<632x128xf32, #tpu.memory_space<vmem_shared>>) target_semaphore(%run_scoped3A_40 : memref<!tpu.dma_semaphore, #tpu.memory_space<semaphore_mem>>)
      %dma_wait3A = arith.constant 0 : i32
      %dma_wait3A_44 = tpu.memref_slice %arg20[%mul3A_2, %dma_wait3A] : memref<10112x128xf32, #tpu.memory_space<vmem_shared>> -> memref<632x128xf32, #tpu.memory_space<vmem_shared>>
      %dma_wait3A_45 = arith.constant 0 : i32
      %dma_wait3A_46 = tpu.memref_slice %arg13[%mul3A_2, %dma_wait3A_45] : memref<10112x128xf32, #tpu.memory_space<hbm>> -> memref<632x128xf32, #tpu.memory_space<hbm>>
      tpu.wait_dma2 semaphore(%run_scoped3A_40 : memref<!tpu.dma_semaphore, #tpu.memory_space<semaphore_mem>>) src(%dma_wait3A_46 : memref<632x128xf32, #tpu.memory_space<hbm>>) dst(%dma_wait3A_44 : memref<632x128xf32, #tpu.memory_space<vmem_shared>>)
      tpu.yield
    }) : () -> ()
    %barrier3A_20 = arith.constant 0 : index
    tpu.barrier barrier_id(%barrier3A_20)
    %scan3A_21 = arith.constant 0 : i32
    %scan3A_22 = arith.constant 0 : i32
    %scan3A_23 = arith.constant 40 : i32
    %scan3A_24 = arith.addi %scan3A_22, %scan3A_23 : i32
    %scan3A_25 = arith.constant 1 : i32
    %scan3A_26 = scf.for %scan3A_40 = %scan3A_22 to %scan3A_24 step %scan3A_25 iter_args(%scan3A_41 = %scan3A_21) -> (i32)  : i32 {
      %mul3A_42 = arith.constant 32 : i32
      %mul3A_43 = arith.muli %scan3A_40, %mul3A_42 : i32
      %add3A_44 = arith.addi %add3A, %mul3A_43 : i32
      %mul3A_45 = arith.constant 128 : i32
      %mul3A_46 = arith.muli %add3A_44, %mul3A_45 : i32
      "tpu.region"() ({
        %run_scoped3A_59 = tpu.sem_alloc : memref<!tpu.dma_semaphore, #tpu.memory_space<semaphore_mem>>
        %dma_start3A_60 = arith.constant 0 : i32
        %dma_start3A_61 = tpu.memref_slice %arg6[%add3A_44, %dma_start3A_60] : memref<1280x128xi32, #tpu.memory_space<hbm>> -> memref<1x128xi32, #tpu.memory_space<hbm>>
        %dma_start3A_62 = tpu.memref_squeeze %dma_start3A_61 : memref<1x128xi32, #tpu.memory_space<hbm>> -> memref<128xi32, #tpu.memory_space<hbm>>
        %dma_start3A_63 = arith.constant 0 : i32
        %dma_start3A_64 = tpu.memref_slice %arg6[%add3A_44, %dma_start3A_63] : memref<1280x128xi32, #tpu.memory_space<hbm>> -> memref<1x128xi32, #tpu.memory_space<hbm>>
        %dma_start3A_65 = tpu.memref_squeeze %dma_start3A_64 : memref<1x128xi32, #tpu.memory_space<hbm>> -> memref<128xi32, #tpu.memory_space<hbm>>
        tpu.enqueue_dma source(%dma_start3A_65 : memref<128xi32, #tpu.memory_space<hbm>>) target(%arg15 : memref<128xi32, #tpu.memory_space<vmem>>) target_semaphore(%run_scoped3A_59 : memref<!tpu.dma_semaphore, #tpu.memory_space<semaphore_mem>>)
        %dma_wait3A_66 = arith.constant 0 : i32
        %dma_wait3A_67 = tpu.memref_slice %arg6[%add3A_44, %dma_wait3A_66] : memref<1280x128xi32, #tpu.memory_space<hbm>> -> memref<1x128xi32, #tpu.memory_space<hbm>>
        %dma_wait3A_68 = tpu.memref_squeeze %dma_wait3A_67 : memref<1x128xi32, #tpu.memory_space<hbm>> -> memref<128xi32, #tpu.memory_space<hbm>>
        %dma_wait3A_69 = arith.constant 0 : i32
        %dma_wait3A_70 = tpu.memref_slice %arg6[%add3A_44, %dma_wait3A_69] : memref<1280x128xi32, #tpu.memory_space<hbm>> -> memref<1x128xi32, #tpu.memory_space<hbm>>
        %dma_wait3A_71 = tpu.memref_squeeze %dma_wait3A_70 : memref<1x128xi32, #tpu.memory_space<hbm>> -> memref<128xi32, #tpu.memory_space<hbm>>
        tpu.wait_dma2 semaphore(%run_scoped3A_59 : memref<!tpu.dma_semaphore, #tpu.memory_space<semaphore_mem>>) src(%dma_wait3A_71 : memref<128xi32, #tpu.memory_space<hbm>>) dst(%arg15 : memref<128xi32, #tpu.memory_space<vmem>>)
        tpu.yield
      }) : () -> ()
      "tpu.region"() ({
        %run_scoped3A_59 = tpu.sem_alloc : memref<!tpu.dma_semaphore, #tpu.memory_space<semaphore_mem>>
        %dma_start3A_60 = arith.constant 0 : i32
        %dma_start3A_61 = tpu.memref_slice %arg7[%add3A_44, %dma_start3A_60] : memref<1280x128xi32, #tpu.memory_space<hbm>> -> memref<1x128xi32, #tpu.memory_space<hbm>>
        %dma_start3A_62 = tpu.memref_squeeze %dma_start3A_61 : memref<1x128xi32, #tpu.memory_space<hbm>> -> memref<128xi32, #tpu.memory_space<hbm>>
        %dma_start3A_63 = arith.constant 0 : i32
        %dma_start3A_64 = tpu.memref_slice %arg7[%add3A_44, %dma_start3A_63] : memref<1280x128xi32, #tpu.memory_space<hbm>> -> memref<1x128xi32, #tpu.memory_space<hbm>>
        %dma_start3A_65 = tpu.memref_squeeze %dma_start3A_64 : memref<1x128xi32, #tpu.memory_space<hbm>> -> memref<128xi32, #tpu.memory_space<hbm>>
        tpu.enqueue_dma source(%dma_start3A_65 : memref<128xi32, #tpu.memory_space<hbm>>) target(%arg16 : memref<128xi32, #tpu.memory_space<vmem>>) target_semaphore(%run_scoped3A_59 : memref<!tpu.dma_semaphore, #tpu.memory_space<semaphore_mem>>)
        %dma_wait3A_66 = arith.constant 0 : i32
        %dma_wait3A_67 = tpu.memref_slice %arg7[%add3A_44, %dma_wait3A_66] : memref<1280x128xi32, #tpu.memory_space<hbm>> -> memref<1x128xi32, #tpu.memory_space<hbm>>
        %dma_wait3A_68 = tpu.memref_squeeze %dma_wait3A_67 : memref<1x128xi32, #tpu.memory_space<hbm>> -> memref<128xi32, #tpu.memory_space<hbm>>
        %dma_wait3A_69 = arith.constant 0 : i32
        %dma_wait3A_70 = tpu.memref_slice %arg7[%add3A_44, %dma_wait3A_69] : memref<1280x128xi32, #tpu.memory_space<hbm>> -> memref<1x128xi32, #tpu.memory_space<hbm>>
        %dma_wait3A_71 = tpu.memref_squeeze %dma_wait3A_70 : memref<1x128xi32, #tpu.memory_space<hbm>> -> memref<128xi32, #tpu.memory_space<hbm>>
        tpu.wait_dma2 semaphore(%run_scoped3A_59 : memref<!tpu.dma_semaphore, #tpu.memory_space<semaphore_mem>>) src(%dma_wait3A_71 : memref<128xi32, #tpu.memory_space<hbm>>) dst(%arg16 : memref<128xi32, #tpu.memory_space<vmem>>)
        tpu.yield
      }) : () -> ()
      %dma_start3A = arith.constant 0 : i32
      %dma_start3A_47 = arith.constant 0 : i32
      %dma_start3A_48 = tpu.memref_slice %arg4[%dma_start3A, %dma_start3A_47] : memref<10000x128xf32, #tpu.memory_space<hbm>> -> memref<10000x128xf32, #tpu.memory_space<hbm>>
      tpu.enqueue_indirect_dma source(%dma_start3A_48 : memref<10000x128xf32, #tpu.memory_space<hbm>>) target(%arg17 : memref<128x128xf32, #tpu.memory_space<vmem>>) offsets(%arg15 : memref<128xi32, #tpu.memory_space<vmem>>) semaphore(%arg21 : memref<!tpu.dma_semaphore, #tpu.memory_space<semaphore_mem>>)
      "tpu.region"() ({
        %run_scoped3A_59 = tpu.sem_alloc : memref<!tpu.dma_semaphore, #tpu.memory_space<semaphore_mem>>
        %dma_start3A_60 = arith.constant 0 : i32
        %dma_start3A_61 = tpu.memref_slice %arg9[%mul3A_46, %dma_start3A_60] : memref<163840x128xf32, #tpu.memory_space<hbm>> -> memref<128x128xf32, #tpu.memory_space<hbm>>
        %dma_start3A_62 = arith.constant 0 : i32
        %dma_start3A_63 = tpu.memref_slice %arg9[%mul3A_46, %dma_start3A_62] : memref<163840x128xf32, #tpu.memory_space<hbm>> -> memref<128x128xf32, #tpu.memory_space<hbm>>
        tpu.enqueue_dma source(%dma_start3A_63 : memref<128x128xf32, #tpu.memory_space<hbm>>) target(%arg18 : memref<128x128xf32, #tpu.memory_space<vmem>>) target_semaphore(%run_scoped3A_59 : memref<!tpu.dma_semaphore, #tpu.memory_space<semaphore_mem>>)
        %dma_wait3A_64 = arith.constant 0 : i32
        %dma_wait3A_65 = tpu.memref_slice %arg9[%mul3A_46, %dma_wait3A_64] : memref<163840x128xf32, #tpu.memory_space<hbm>> -> memref<128x128xf32, #tpu.memory_space<hbm>>
        %dma_wait3A_66 = arith.constant 0 : i32
        %dma_wait3A_67 = tpu.memref_slice %arg9[%mul3A_46, %dma_wait3A_66] : memref<163840x128xf32, #tpu.memory_space<hbm>> -> memref<128x128xf32, #tpu.memory_space<hbm>>
        tpu.wait_dma2 semaphore(%run_scoped3A_59 : memref<!tpu.dma_semaphore, #tpu.memory_space<semaphore_mem>>) src(%dma_wait3A_67 : memref<128x128xf32, #tpu.memory_space<hbm>>) dst(%arg18 : memref<128x128xf32, #tpu.memory_space<vmem>>)
        tpu.yield
      }) : () -> ()
      "tpu.region"() ({
        %run_scoped3A_59 = tpu.sem_alloc : memref<!tpu.dma_semaphore, #tpu.memory_space<semaphore_mem>>
        %dma_start3A_60 = arith.constant 0 : i32
        %dma_start3A_61 = tpu.memref_slice %arg11[%mul3A_46, %dma_start3A_60] : memref<163840x128xf32, #tpu.memory_space<hbm>> -> memref<128x128xf32, #tpu.memory_space<hbm>>
        %dma_start3A_62 = arith.constant 0 : i32
        %dma_start3A_63 = tpu.memref_slice %arg11[%mul3A_46, %dma_start3A_62] : memref<163840x128xf32, #tpu.memory_space<hbm>> -> memref<128x128xf32, #tpu.memory_space<hbm>>
        tpu.enqueue_dma source(%dma_start3A_63 : memref<128x128xf32, #tpu.memory_space<hbm>>) target(%arg19 : memref<128x128xf32, #tpu.memory_space<vmem>>) target_semaphore(%run_scoped3A_59 : memref<!tpu.dma_semaphore, #tpu.memory_space<semaphore_mem>>)
        %dma_wait3A_64 = arith.constant 0 : i32
        %dma_wait3A_65 = tpu.memref_slice %arg11[%mul3A_46, %dma_wait3A_64] : memref<163840x128xf32, #tpu.memory_space<hbm>> -> memref<128x128xf32, #tpu.memory_space<hbm>>
        %dma_wait3A_66 = arith.constant 0 : i32
        %dma_wait3A_67 = tpu.memref_slice %arg11[%mul3A_46, %dma_wait3A_66] : memref<163840x128xf32, #tpu.memory_space<hbm>> -> memref<128x128xf32, #tpu.memory_space<hbm>>
        tpu.wait_dma2 semaphore(%run_scoped3A_59 : memref<!tpu.dma_semaphore, #tpu.memory_space<semaphore_mem>>) src(%dma_wait3A_67 : memref<128x128xf32, #tpu.memory_space<hbm>>) dst(%arg19 : memref<128x128xf32, #tpu.memory_space<vmem>>)
        tpu.yield
      }) : () -> ()
      %dma_wait3A = arith.constant 0 : i32
      %dma_wait3A_49 = arith.constant 0 : i32
      %dma_wait3A_50 = tpu.memref_slice %arg4[%dma_wait3A, %dma_wait3A_49] : memref<10000x128xf32, #tpu.memory_space<hbm>> -> memref<10000x128xf32, #tpu.memory_space<hbm>>
      tpu.wait_indirect_dma semaphore(%arg21 : memref<!tpu.dma_semaphore, #tpu.memory_space<semaphore_mem>>) src(%dma_wait3A_50 : memref<10000x128xf32, #tpu.memory_space<hbm>>) dst(%arg17 : memref<128x128xf32, #tpu.memory_space<vmem>>)
      %scan3A_51 = arith.constant 0 : i32
      %scan3A_52 = arith.constant 0 : i32
      %scan3A_53 = arith.constant 128 : i32
      %scan3A_54 = arith.addi %scan3A_52, %scan3A_53 : i32
      %scan3A_55 = arith.constant 1 : i32
      %scan3A_56 = scf.for %scan3A_59 = %scan3A_52 to %scan3A_54 step %scan3A_55 iter_args(%scan3A_60 = %scan3A_51) -> (i32)  : i32 {
        %get3A = arith.index_cast %scan3A_59 : i32 to index
        %get3A_61 = arith.constant 0 : index
        %get3A_62 = tpu.vector_load %arg17[%get3A, %get3A_61] {strides = array<i32>} : memref<128x128xf32, #tpu.memory_space<vmem>>, vector<1x16xf32>,
        %get3A_63 = vector.shape_cast %get3A_62 : vector<1x16xf32> to vector<16xf32>
        %get3A_64 = arith.index_cast %scan3A_59 : i32 to index
        %get3A_65 = arith.constant 0 : index
        %get3A_66 = tpu.vector_load %arg18[%get3A_64, %get3A_65] {strides = array<i32>} : memref<128x128xf32, #tpu.memory_space<vmem>>, vector<1x16xf32>,
        %get3A_67 = vector.shape_cast %get3A_66 : vector<1x16xf32> to vector<16xf32>
        %mul3A_68 = arith.mulf %get3A_63, %get3A_67 : vector<16xf32>
        %get3A_69 = arith.index_cast %scan3A_59 : i32 to index
        %get3A_70 = arith.constant 0 : index
        %get3A_71 = tpu.vector_load %arg19[%get3A_69, %get3A_70] {strides = array<i32>} : memref<128x128xf32, #tpu.memory_space<vmem>>, vector<1x16xf32>,
        %get3A_72 = vector.shape_cast %get3A_71 : vector<1x16xf32> to vector<16xf32>
        %add3A_73 = arith.addf %mul3A_68, %get3A_72 : vector<16xf32>
        %swap3A = arith.index_cast %scan3A_59 : i32 to index
        %swap3A_74 = arith.constant 0 : index
        %swap3A_75 = tpu.vector_load %arg17[%swap3A, %swap3A_74] {strides = array<i32>} : memref<128x128xf32, #tpu.memory_space<vmem>>, vector<1x16xf32>,
        %swap3A_76 = vector.shape_cast %swap3A_75 : vector<1x16xf32> to vector<16xf32>
        %swap3A_77 = vector.shape_cast %add3A_73 : vector<16xf32> to vector<1x16xf32>
        tpu.vector_store %arg17[%swap3A, %swap3A_74], %swap3A_77 {strides = array<i32>} : memref<128x128xf32, #tpu.memory_space<vmem>>, vector<1x16xf32>,
        %get3A_78 = arith.index_cast %scan3A_59 : i32 to index
        %get3A_79 = arith.constant 16 : index
        %get3A_80 = tpu.vector_load %arg17[%get3A_78, %get3A_79] {strides = array<i32>} : memref<128x128xf32, #tpu.memory_space<vmem>>, vector<1x16xf32>,
        %get3A_81 = vector.shape_cast %get3A_80 : vector<1x16xf32> to vector<16xf32>
        %get3A_82 = arith.index_cast %scan3A_59 : i32 to index
        %get3A_83 = arith.constant 16 : index
        %get3A_84 = tpu.vector_load %arg18[%get3A_82, %get3A_83] {strides = array<i32>} : memref<128x128xf32, #tpu.memory_space<vmem>>, vector<1x16xf32>,
        %get3A_85 = vector.shape_cast %get3A_84 : vector<1x16xf32> to vector<16xf32>
        %mul3A_86 = arith.mulf %get3A_81, %get3A_85 : vector<16xf32>
        %get3A_87 = arith.index_cast %scan3A_59 : i32 to index
        %get3A_88 = arith.constant 16 : index
        %get3A_89 = tpu.vector_load %arg19[%get3A_87, %get3A_88] {strides = array<i32>} : memref<128x128xf32, #tpu.memory_space<vmem>>, vector<1x16xf32>,
        %get3A_90 = vector.shape_cast %get3A_89 : vector<1x16xf32> to vector<16xf32>
        %add3A_91 = arith.addf %mul3A_86, %get3A_90 : vector<16xf32>
        %swap3A_92 = arith.index_cast %scan3A_59 : i32 to index
        %swap3A_93 = arith.constant 16 : index
        %swap3A_94 = tpu.vector_load %arg17[%swap3A_92, %swap3A_93] {strides = array<i32>} : memref<128x128xf32, #tpu.memory_space<vmem>>, vector<1x16xf32>,
        %swap3A_95 = vector.shape_cast %swap3A_94 : vector<1x16xf32> to vector<16xf32>
        %swap3A_96 = vector.shape_cast %add3A_91 : vector<16xf32> to vector<1x16xf32>
        tpu.vector_store %arg17[%swap3A_92, %swap3A_93], %swap3A_96 {strides = array<i32>} : memref<128x128xf32, #tpu.memory_space<vmem>>, vector<1x16xf32>,
        %get3A_97 = arith.index_cast %scan3A_59 : i32 to index
        %get3A_98 = arith.constant 32 : index
        %get3A_99 = tpu.vector_load %arg17[%get3A_97, %get3A_98] {strides = array<i32>} : memref<128x128xf32, #tpu.memory_space<vmem>>, vector<1x16xf32>,
        %get3A_100 = vector.shape_cast %get3A_99 : vector<1x16xf32> to vector<16xf32>
        %get3A_101 = arith.index_cast %scan3A_59 : i32 to index
        %get3A_102 = arith.constant 32 : index
        %get3A_103 = tpu.vector_load %arg18[%get3A_101, %get3A_102] {strides = array<i32>} : memref<128x128xf32, #tpu.memory_space<vmem>>, vector<1x16xf32>,
        %get3A_104 = vector.shape_cast %get3A_103 : vector<1x16xf32> to vector<16xf32>
        %mul3A_105 = arith.mulf %get3A_100, %get3A_104 : vector<16xf32>
        %get3A_106 = arith.index_cast %scan3A_59 : i32 to index
        %get3A_107 = arith.constant 32 : index
        %get3A_108 = tpu.vector_load %arg19[%get3A_106, %get3A_107] {strides = array<i32>} : memref<128x128xf32, #tpu.memory_space<vmem>>, vector<1x16xf32>,
        %get3A_109 = vector.shape_cast %get3A_108 : vector<1x16xf32> to vector<16xf32>
        %add3A_110 = arith.addf %mul3A_105, %get3A_109 : vector<16xf32>
        %swap3A_111 = arith.index_cast %scan3A_59 : i32 to index
        %swap3A_112 = arith.constant 32 : index
        %swap3A_113 = tpu.vector_load %arg17[%swap3A_111, %swap3A_112] {strides = array<i32>} : memref<128x128xf32, #tpu.memory_space<vmem>>, vector<1x16xf32>,
        %swap3A_114 = vector.shape_cast %swap3A_113 : vector<1x16xf32> to vector<16xf32>
        %swap3A_115 = vector.shape_cast %add3A_110 : vector<16xf32> to vector<1x16xf32>
        tpu.vector_store %arg17[%swap3A_111, %swap3A_112], %swap3A_115 {strides = array<i32>} : memref<128x128xf32, #tpu.memory_space<vmem>>, vector<1x16xf32>,
        %get3A_116 = arith.index_cast %scan3A_59 : i32 to index
        %get3A_117 = arith.constant 48 : index
        %get3A_118 = tpu.vector_load %arg17[%get3A_116, %get3A_117] {strides = array<i32>} : memref<128x128xf32, #tpu.memory_space<vmem>>, vector<1x16xf32>,
        %get3A_119 = vector.shape_cast %get3A_118 : vector<1x16xf32> to vector<16xf32>
        %get3A_120 = arith.index_cast %scan3A_59 : i32 to index
        %get3A_121 = arith.constant 48 : index
        %get3A_122 = tpu.vector_load %arg18[%get3A_120, %get3A_121] {strides = array<i32>} : memref<128x128xf32, #tpu.memory_space<vmem>>, vector<1x16xf32>,
        %get3A_123 = vector.shape_cast %get3A_122 : vector<1x16xf32> to vector<16xf32>
        %mul3A_124 = arith.mulf %get3A_119, %get3A_123 : vector<16xf32>
        %get3A_125 = arith.index_cast %scan3A_59 : i32 to index
        %get3A_126 = arith.constant 48 : index
        %get3A_127 = tpu.vector_load %arg19[%get3A_125, %get3A_126] {strides = array<i32>} : memref<128x128xf32, #tpu.memory_space<vmem>>, vector<1x16xf32>,
        %get3A_128 = vector.shape_cast %get3A_127 : vector<1x16xf32> to vector<16xf32>
        %add3A_129 = arith.addf %mul3A_124, %get3A_128 : vector<16xf32>
        %swap3A_130 = arith.index_cast %scan3A_59 : i32 to index
        %swap3A_131 = arith.constant 48 : index
        %swap3A_132 = tpu.vector_load %arg17[%swap3A_130, %swap3A_131] {strides = array<i32>} : memref<128x128xf32, #tpu.memory_space<vmem>>, vector<1x16xf32>,
        %swap3A_133 = vector.shape_cast %swap3A_132 : vector<1x16xf32> to vector<16xf32>
        %swap3A_134 = vector.shape_cast %add3A_129 : vector<16xf32> to vector<1x16xf32>
        tpu.vector_store %arg17[%swap3A_130, %swap3A_131], %swap3A_134 {strides = array<i32>} : memref<128x128xf32, #tpu.memory_space<vmem>>, vector<1x16xf32>,
        %get3A_135 = arith.index_cast %scan3A_59 : i32 to index
        %get3A_136 = arith.constant 64 : index
        %get3A_137 = tpu.vector_load %arg17[%get3A_135, %get3A_136] {strides = array<i32>} : memref<128x128xf32, #tpu.memory_space<vmem>>, vector<1x16xf32>,
        %get3A_138 = vector.shape_cast %get3A_137 : vector<1x16xf32> to vector<16xf32>
        %get3A_139 = arith.index_cast %scan3A_59 : i32 to index
        %get3A_140 = arith.constant 64 : index
        %get3A_141 = tpu.vector_load %arg18[%get3A_139, %get3A_140] {strides = array<i32>} : memref<128x128xf32, #tpu.memory_space<vmem>>, vector<1x16xf32>,
        %get3A_142 = vector.shape_cast %get3A_141 : vector<1x16xf32> to vector<16xf32>
        %mul3A_143 = arith.mulf %get3A_138, %get3A_142 : vector<16xf32>
        %get3A_144 = arith.index_cast %scan3A_59 : i32 to index
        %get3A_145 = arith.constant 64 : index
        %get3A_146 = tpu.vector_load %arg19[%get3A_144, %get3A_145] {strides = array<i32>} : memref<128x128xf32, #tpu.memory_space<vmem>>, vector<1x16xf32>,
        %get3A_147 = vector.shape_cast %get3A_146 : vector<1x16xf32> to vector<16xf32>
        %add3A_148 = arith.addf %mul3A_143, %get3A_147 : vector<16xf32>
        %swap3A_149 = arith.index_cast %scan3A_59 : i32 to index
        %swap3A_150 = arith.constant 64 : index
        %swap3A_151 = tpu.vector_load %arg17[%swap3A_149, %swap3A_150] {strides = array<i32>} : memref<128x128xf32, #tpu.memory_space<vmem>>, vector<1x16xf32>,
        %swap3A_152 = vector.shape_cast %swap3A_151 : vector<1x16xf32> to vector<16xf32>
        %swap3A_153 = vector.shape_cast %add3A_148 : vector<16xf32> to vector<1x16xf32>
        tpu.vector_store %arg17[%swap3A_149, %swap3A_150], %swap3A_153 {strides = array<i32>} : memref<128x128xf32, #tpu.memory_space<vmem>>, vector<1x16xf32>,
        %get3A_154 = arith.index_cast %scan3A_59 : i32 to index
        %get3A_155 = arith.constant 80 : index
        %get3A_156 = tpu.vector_load %arg17[%get3A_154, %get3A_155] {strides = array<i32>} : memref<128x128xf32, #tpu.memory_space<vmem>>, vector<1x16xf32>,
        %get3A_157 = vector.shape_cast %get3A_156 : vector<1x16xf32> to vector<16xf32>
        %get3A_158 = arith.index_cast %scan3A_59 : i32 to index
        %get3A_159 = arith.constant 80 : index
        %get3A_160 = tpu.vector_load %arg18[%get3A_158, %get3A_159] {strides = array<i32>} : memref<128x128xf32, #tpu.memory_space<vmem>>, vector<1x16xf32>,
        %get3A_161 = vector.shape_cast %get3A_160 : vector<1x16xf32> to vector<16xf32>
        %mul3A_162 = arith.mulf %get3A_157, %get3A_161 : vector<16xf32>
        %get3A_163 = arith.index_cast %scan3A_59 : i32 to index
        %get3A_164 = arith.constant 80 : index
        %get3A_165 = tpu.vector_load %arg19[%get3A_163, %get3A_164] {strides = array<i32>} : memref<128x128xf32, #tpu.memory_space<vmem>>, vector<1x16xf32>,
        %get3A_166 = vector.shape_cast %get3A_165 : vector<1x16xf32> to vector<16xf32>
        %add3A_167 = arith.addf %mul3A_162, %get3A_166 : vector<16xf32>
        %swap3A_168 = arith.index_cast %scan3A_59 : i32 to index
        %swap3A_169 = arith.constant 80 : index
        %swap3A_170 = tpu.vector_load %arg17[%swap3A_168, %swap3A_169] {strides = array<i32>} : memref<128x128xf32, #tpu.memory_space<vmem>>, vector<1x16xf32>,
        %swap3A_171 = vector.shape_cast %swap3A_170 : vector<1x16xf32> to vector<16xf32>
        %swap3A_172 = vector.shape_cast %add3A_167 : vector<16xf32> to vector<1x16xf32>
        tpu.vector_store %arg17[%swap3A_168, %swap3A_169], %swap3A_172 {strides = array<i32>} : memref<128x128xf32, #tpu.memory_space<vmem>>, vector<1x16xf32>,
        %get3A_173 = arith.index_cast %scan3A_59 : i32 to index
        %get3A_174 = arith.constant 96 : index
        %get3A_175 = tpu.vector_load %arg17[%get3A_173, %get3A_174] {strides = array<i32>} : memref<128x128xf32, #tpu.memory_space<vmem>>, vector<1x16xf32>,
        %get3A_176 = vector.shape_cast %get3A_175 : vector<1x16xf32> to vector<16xf32>
        %get3A_177 = arith.index_cast %scan3A_59 : i32 to index
        %get3A_178 = arith.constant 96 : index
        %get3A_179 = tpu.vector_load %arg18[%get3A_177, %get3A_178] {strides = array<i32>} : memref<128x128xf32, #tpu.memory_space<vmem>>, vector<1x16xf32>,
        %get3A_180 = vector.shape_cast %get3A_179 : vector<1x16xf32> to vector<16xf32>
        %mul3A_181 = arith.mulf %get3A_176, %get3A_180 : vector<16xf32>
        %get3A_182 = arith.index_cast %scan3A_59 : i32 to index
        %get3A_183 = arith.constant 96 : index
        %get3A_184 = tpu.vector_load %arg19[%get3A_182, %get3A_183] {strides = array<i32>} : memref<128x128xf32, #tpu.memory_space<vmem>>, vector<1x16xf32>,
        %get3A_185 = vector.shape_cast %get3A_184 : vector<1x16xf32> to vector<16xf32>
        %add3A_186 = arith.addf %mul3A_181, %get3A_185 : vector<16xf32>
        %swap3A_187 = arith.index_cast %scan3A_59 : i32 to index
        %swap3A_188 = arith.constant 96 : index
        %swap3A_189 = tpu.vector_load %arg17[%swap3A_187, %swap3A_188] {strides = array<i32>} : memref<128x128xf32, #tpu.memory_space<vmem>>, vector<1x16xf32>,
        %swap3A_190 = vector.shape_cast %swap3A_189 : vector<1x16xf32> to vector<16xf32>
        %swap3A_191 = vector.shape_cast %add3A_186 : vector<16xf32> to vector<1x16xf32>
        tpu.vector_store %arg17[%swap3A_187, %swap3A_188], %swap3A_191 {strides = array<i32>} : memref<128x128xf32, #tpu.memory_space<vmem>>, vector<1x16xf32>,
        %get3A_192 = arith.index_cast %scan3A_59 : i32 to index
        %get3A_193 = arith.constant 112 : index
        %get3A_194 = tpu.vector_load %arg17[%get3A_192, %get3A_193] {strides = array<i32>} : memref<128x128xf32, #tpu.memory_space<vmem>>, vector<1x16xf32>,
        %get3A_195 = vector.shape_cast %get3A_194 : vector<1x16xf32> to vector<16xf32>
        %get3A_196 = arith.index_cast %scan3A_59 : i32 to index
        %get3A_197 = arith.constant 112 : index
        %get3A_198 = tpu.vector_load %arg18[%get3A_196, %get3A_197] {strides = array<i32>} : memref<128x128xf32, #tpu.memory_space<vmem>>, vector<1x16xf32>,
        %get3A_199 = vector.shape_cast %get3A_198 : vector<1x16xf32> to vector<16xf32>
        %mul3A_200 = arith.mulf %get3A_195, %get3A_199 : vector<16xf32>
        %get3A_201 = arith.index_cast %scan3A_59 : i32 to index
        %get3A_202 = arith.constant 112 : index
        %get3A_203 = tpu.vector_load %arg19[%get3A_201, %get3A_202] {strides = array<i32>} : memref<128x128xf32, #tpu.memory_space<vmem>>, vector<1x16xf32>,
        %get3A_204 = vector.shape_cast %get3A_203 : vector<1x16xf32> to vector<16xf32>
        %add3A_205 = arith.addf %mul3A_200, %get3A_204 : vector<16xf32>
        %swap3A_206 = arith.index_cast %scan3A_59 : i32 to index
        %swap3A_207 = arith.constant 112 : index
        %swap3A_208 = tpu.vector_load %arg17[%swap3A_206, %swap3A_207] {strides = array<i32>} : memref<128x128xf32, #tpu.memory_space<vmem>>, vector<1x16xf32>,
        %swap3A_209 = vector.shape_cast %swap3A_208 : vector<1x16xf32> to vector<16xf32>
        %swap3A_210 = vector.shape_cast %add3A_205 : vector<16xf32> to vector<1x16xf32>
        tpu.vector_store %arg17[%swap3A_206, %swap3A_207], %swap3A_210 {strides = array<i32>} : memref<128x128xf32, #tpu.memory_space<vmem>>, vector<1x16xf32>,
        %scan3A_211 = arith.constant 0 : i32
        scf.yield %scan3A_211 : i32
      }
      %scan3A_57 = arith.constant 128 : i32
      "tpu.region"() ({
        %run_scoped3A_59 = tpu.sem_alloc : memref<!tpu.dma_semaphore, #tpu.memory_space<semaphore_mem>>
        %dma_start3A_60 = arith.constant 0 : i32
        %dma_start3A_61 = arith.constant 0 : i32
        %dma_start3A_62 = tpu.memref_slice %arg20[%dma_start3A_60, %dma_start3A_61] : memref<10112x128xf32, #tpu.memory_space<vmem_shared>> -> memref<10112x128xf32, #tpu.memory_space<vmem_shared>>
        tpu.enqueue_indirect_dma source(%arg17 : memref<128x128xf32, #tpu.memory_space<vmem>>) target(%dma_start3A_62 : memref<10112x128xf32, #tpu.memory_space<vmem_shared>>) offsets(%arg16 : memref<128xi32, #tpu.memory_space<vmem>>) semaphore(%run_scoped3A_59 : memref<!tpu.dma_semaphore, #tpu.memory_space<semaphore_mem>>) {add = true}
        %dma_wait3A_63 = arith.constant 0 : i32
        %dma_wait3A_64 = arith.constant 0 : i32
        %dma_wait3A_65 = tpu.memref_slice %arg20[%dma_wait3A_63, %dma_wait3A_64] : memref<10112x128xf32, #tpu.memory_space<vmem_shared>> -> memref<10112x128xf32, #tpu.memory_space<vmem_shared>>
        tpu.wait_indirect_dma semaphore(%run_scoped3A_59 : memref<!tpu.dma_semaphore, #tpu.memory_space<semaphore_mem>>) src(%arg17 : memref<128x128xf32, #tpu.memory_space<vmem>>) dst(%dma_wait3A_65 : memref<10112x128xf32, #tpu.memory_space<vmem_shared>>)
        tpu.yield
      }) : () -> ()
      %scan3A_58 = arith.constant 0 : i32
      scf.yield %scan3A_58 : i32
    }
    %scan3A_27 = arith.constant 40 : i32
    %barrier3A_28 = arith.constant 0 : index
    tpu.barrier barrier_id(%barrier3A_28)
    %run_scoped3A_29 = arith.constant 2 : i32
    "tpu.region"() ({
      %run_scoped3A_40 = tpu.sem_alloc : memref<!tpu.dma_semaphore, #tpu.memory_space<semaphore_mem>>
      %dma_start3A = arith.constant 0 : i32
      %dma_start3A_41 = tpu.memref_slice %arg14[%run_scoped3A_29, %arg0, %mul3A_2, %dma_start3A] : memref<4x2x10112x128xf32, #tpu.memory_space<hbm>> -> memref<1x1x632x128xf32, #tpu.memory_space<hbm>>
      %dma_start3A_42 = tpu.memref_squeeze %dma_start3A_41 : memref<1x1x632x128xf32, #tpu.memory_space<hbm>> -> memref<632x128xf32, #tpu.memory_space<hbm>>
      %dma_start3A_43 = arith.constant 0 : i32
      %dma_start3A_44 = tpu.memref_slice %arg20[%mul3A_2, %dma_start3A_43] : memref<10112x128xf32, #tpu.memory_space<vmem_shared>> -> memref<632x128xf32, #tpu.memory_space<vmem_shared>>
      tpu.enqueue_dma source(%dma_start3A_44 : memref<632x128xf32, #tpu.memory_space<vmem_shared>>) target(%dma_start3A_42 : memref<632x128xf32, #tpu.memory_space<hbm>>) target_semaphore(%run_scoped3A_40 : memref<!tpu.dma_semaphore, #tpu.memory_space<semaphore_mem>>)
      %dma_wait3A = arith.constant 0 : i32
      %dma_wait3A_45 = tpu.memref_slice %arg14[%run_scoped3A_29, %arg0, %mul3A_2, %dma_wait3A] : memref<4x2x10112x128xf32, #tpu.memory_space<hbm>> -> memref<1x1x632x128xf32, #tpu.memory_space<hbm>>
      %dma_wait3A_46 = tpu.memref_squeeze %dma_wait3A_45 : memref<1x1x632x128xf32, #tpu.memory_space<hbm>> -> memref<632x128xf32, #tpu.memory_space<hbm>>
      %dma_wait3A_47 = arith.constant 0 : i32
      %dma_wait3A_48 = tpu.memref_slice %arg20[%mul3A_2, %dma_wait3A_47] : memref<10112x128xf32, #tpu.memory_space<vmem_shared>> -> memref<632x128xf32, #tpu.memory_space<vmem_shared>>
      tpu.wait_dma2 semaphore(%run_scoped3A_40 : memref<!tpu.dma_semaphore, #tpu.memory_space<semaphore_mem>>) src(%dma_wait3A_48 : memref<632x128xf32, #tpu.memory_space<vmem_shared>>) dst(%dma_wait3A_46 : memref<632x128xf32, #tpu.memory_space<hbm>>)
      tpu.yield
    }) : () -> ()
    "tpu.region"() ({
      %run_scoped3A_40 = tpu.sem_alloc : memref<!tpu.dma_semaphore, #tpu.memory_space<semaphore_mem>>
      %dma_start3A = arith.constant 0 : i32
      %dma_start3A_41 = tpu.memref_slice %arg20[%mul3A_2, %dma_start3A] : memref<10112x128xf32, #tpu.memory_space<vmem_shared>> -> memref<632x128xf32, #tpu.memory_space<vmem_shared>>
      %dma_start3A_42 = arith.constant 0 : i32
      %dma_start3A_43 = tpu.memref_slice %arg13[%mul3A_2, %dma_start3A_42] : memref<10112x128xf32, #tpu.memory_space<hbm>> -> memref<632x128xf32, #tpu.memory_space<hbm>>
      tpu.enqueue_dma source(%dma_start3A_43 : memref<632x128xf32, #tpu.memory_space<hbm>>) target(%dma_start3A_41 : memref<632x128xf32, #tpu.memory_space<vmem_shared>>) target_semaphore(%run_scoped3A_40 : memref<!tpu.dma_semaphore, #tpu.memory_space<semaphore_mem>>)
      %dma_wait3A = arith.constant 0 : i32
      %dma_wait3A_44 = tpu.memref_slice %arg20[%mul3A_2, %dma_wait3A] : memref<10112x128xf32, #tpu.memory_space<vmem_shared>> -> memref<632x128xf32, #tpu.memory_space<vmem_shared>>
      %dma_wait3A_45 = arith.constant 0 : i32
      %dma_wait3A_46 = tpu.memref_slice %arg13[%mul3A_2, %dma_wait3A_45] : memref<10112x128xf32, #tpu.memory_space<hbm>> -> memref<632x128xf32, #tpu.memory_space<hbm>>
      tpu.wait_dma2 semaphore(%run_scoped3A_40 : memref<!tpu.dma_semaphore, #tpu.memory_space<semaphore_mem>>) src(%dma_wait3A_46 : memref<632x128xf32, #tpu.memory_space<hbm>>) dst(%dma_wait3A_44 : memref<632x128xf32, #tpu.memory_space<vmem_shared>>)
      tpu.yield
    }) : () -> ()
    %barrier3A_30 = arith.constant 0 : index
    tpu.barrier barrier_id(%barrier3A_30)
    %scan3A_31 = arith.constant 0 : i32
    %scan3A_32 = arith.constant 0 : i32
    %scan3A_33 = arith.constant 40 : i32
    %scan3A_34 = arith.addi %scan3A_32, %scan3A_33 : i32
    %scan3A_35 = arith.constant 1 : i32
    %scan3A_36 = scf.for %scan3A_40 = %scan3A_32 to %scan3A_34 step %scan3A_35 iter_args(%scan3A_41 = %scan3A_31) -> (i32)  : i32 {
      %mul3A_42 = arith.constant 32 : i32
      %mul3A_43 = arith.muli %scan3A_40, %mul3A_42 : i32
      %add3A_44 = arith.addi %add3A, %mul3A_43 : i32
      %mul3A_45 = arith.constant 128 : i32
      %mul3A_46 = arith.muli %add3A_44, %mul3A_45 : i32
      "tpu.region"() ({
        %run_scoped3A_59 = tpu.sem_alloc : memref<!tpu.dma_semaphore, #tpu.memory_space<semaphore_mem>>
        %dma_start3A_60 = arith.constant 0 : i32
        %dma_start3A_61 = tpu.memref_slice %arg6[%add3A_44, %dma_start3A_60] : memref<1280x128xi32, #tpu.memory_space<hbm>> -> memref<1x128xi32, #tpu.memory_space<hbm>>
        %dma_start3A_62 = tpu.memref_squeeze %dma_start3A_61 : memref<1x128xi32, #tpu.memory_space<hbm>> -> memref<128xi32, #tpu.memory_space<hbm>>
        %dma_start3A_63 = arith.constant 0 : i32
        %dma_start3A_64 = tpu.memref_slice %arg6[%add3A_44, %dma_start3A_63] : memref<1280x128xi32, #tpu.memory_space<hbm>> -> memref<1x128xi32, #tpu.memory_space<hbm>>
        %dma_start3A_65 = tpu.memref_squeeze %dma_start3A_64 : memref<1x128xi32, #tpu.memory_space<hbm>> -> memref<128xi32, #tpu.memory_space<hbm>>
        tpu.enqueue_dma source(%dma_start3A_65 : memref<128xi32, #tpu.memory_space<hbm>>) target(%arg15 : memref<128xi32, #tpu.memory_space<vmem>>) target_semaphore(%run_scoped3A_59 : memref<!tpu.dma_semaphore, #tpu.memory_space<semaphore_mem>>)
        %dma_wait3A_66 = arith.constant 0 : i32
        %dma_wait3A_67 = tpu.memref_slice %arg6[%add3A_44, %dma_wait3A_66] : memref<1280x128xi32, #tpu.memory_space<hbm>> -> memref<1x128xi32, #tpu.memory_space<hbm>>
        %dma_wait3A_68 = tpu.memref_squeeze %dma_wait3A_67 : memref<1x128xi32, #tpu.memory_space<hbm>> -> memref<128xi32, #tpu.memory_space<hbm>>
        %dma_wait3A_69 = arith.constant 0 : i32
        %dma_wait3A_70 = tpu.memref_slice %arg6[%add3A_44, %dma_wait3A_69] : memref<1280x128xi32, #tpu.memory_space<hbm>> -> memref<1x128xi32, #tpu.memory_space<hbm>>
        %dma_wait3A_71 = tpu.memref_squeeze %dma_wait3A_70 : memref<1x128xi32, #tpu.memory_space<hbm>> -> memref<128xi32, #tpu.memory_space<hbm>>
        tpu.wait_dma2 semaphore(%run_scoped3A_59 : memref<!tpu.dma_semaphore, #tpu.memory_space<semaphore_mem>>) src(%dma_wait3A_71 : memref<128xi32, #tpu.memory_space<hbm>>) dst(%arg15 : memref<128xi32, #tpu.memory_space<vmem>>)
        tpu.yield
      }) : () -> ()
      "tpu.region"() ({
        %run_scoped3A_59 = tpu.sem_alloc : memref<!tpu.dma_semaphore, #tpu.memory_space<semaphore_mem>>
        %dma_start3A_60 = arith.constant 0 : i32
        %dma_start3A_61 = tpu.memref_slice %arg7[%add3A_44, %dma_start3A_60] : memref<1280x128xi32, #tpu.memory_space<hbm>> -> memref<1x128xi32, #tpu.memory_space<hbm>>
        %dma_start3A_62 = tpu.memref_squeeze %dma_start3A_61 : memref<1x128xi32, #tpu.memory_space<hbm>> -> memref<128xi32, #tpu.memory_space<hbm>>
        %dma_start3A_63 = arith.constant 0 : i32
        %dma_start3A_64 = tpu.memref_slice %arg7[%add3A_44, %dma_start3A_63] : memref<1280x128xi32, #tpu.memory_space<hbm>> -> memref<1x128xi32, #tpu.memory_space<hbm>>
        %dma_start3A_65 = tpu.memref_squeeze %dma_start3A_64 : memref<1x128xi32, #tpu.memory_space<hbm>> -> memref<128xi32, #tpu.memory_space<hbm>>
        tpu.enqueue_dma source(%dma_start3A_65 : memref<128xi32, #tpu.memory_space<hbm>>) target(%arg16 : memref<128xi32, #tpu.memory_space<vmem>>) target_semaphore(%run_scoped3A_59 : memref<!tpu.dma_semaphore, #tpu.memory_space<semaphore_mem>>)
        %dma_wait3A_66 = arith.constant 0 : i32
        %dma_wait3A_67 = tpu.memref_slice %arg7[%add3A_44, %dma_wait3A_66] : memref<1280x128xi32, #tpu.memory_space<hbm>> -> memref<1x128xi32, #tpu.memory_space<hbm>>
        %dma_wait3A_68 = tpu.memref_squeeze %dma_wait3A_67 : memref<1x128xi32, #tpu.memory_space<hbm>> -> memref<128xi32, #tpu.memory_space<hbm>>
        %dma_wait3A_69 = arith.constant 0 : i32
        %dma_wait3A_70 = tpu.memref_slice %arg7[%add3A_44, %dma_wait3A_69] : memref<1280x128xi32, #tpu.memory_space<hbm>> -> memref<1x128xi32, #tpu.memory_space<hbm>>
        %dma_wait3A_71 = tpu.memref_squeeze %dma_wait3A_70 : memref<1x128xi32, #tpu.memory_space<hbm>> -> memref<128xi32, #tpu.memory_space<hbm>>
        tpu.wait_dma2 semaphore(%run_scoped3A_59 : memref<!tpu.dma_semaphore, #tpu.memory_space<semaphore_mem>>) src(%dma_wait3A_71 : memref<128xi32, #tpu.memory_space<hbm>>) dst(%arg16 : memref<128xi32, #tpu.memory_space<vmem>>)
        tpu.yield
      }) : () -> ()
      %dma_start3A = arith.constant 0 : i32
      %dma_start3A_47 = arith.constant 0 : i32
      %dma_start3A_48 = tpu.memref_slice %arg5[%dma_start3A, %dma_start3A_47] : memref<10000x128xf32, #tpu.memory_space<hbm>> -> memref<10000x128xf32, #tpu.memory_space<hbm>>
      tpu.enqueue_indirect_dma source(%dma_start3A_48 : memref<10000x128xf32, #tpu.memory_space<hbm>>) target(%arg17 : memref<128x128xf32, #tpu.memory_space<vmem>>) offsets(%arg15 : memref<128xi32, #tpu.memory_space<vmem>>) semaphore(%arg21 : memref<!tpu.dma_semaphore, #tpu.memory_space<semaphore_mem>>)
      "tpu.region"() ({
        %run_scoped3A_59 = tpu.sem_alloc : memref<!tpu.dma_semaphore, #tpu.memory_space<semaphore_mem>>
        %dma_start3A_60 = arith.constant 0 : i32
        %dma_start3A_61 = tpu.memref_slice %arg9[%mul3A_46, %dma_start3A_60] : memref<163840x128xf32, #tpu.memory_space<hbm>> -> memref<128x128xf32, #tpu.memory_space<hbm>>
        %dma_start3A_62 = arith.constant 0 : i32
        %dma_start3A_63 = tpu.memref_slice %arg9[%mul3A_46, %dma_start3A_62] : memref<163840x128xf32, #tpu.memory_space<hbm>> -> memref<128x128xf32, #tpu.memory_space<hbm>>
        tpu.enqueue_dma source(%dma_start3A_63 : memref<128x128xf32, #tpu.memory_space<hbm>>) target(%arg18 : memref<128x128xf32, #tpu.memory_space<vmem>>) target_semaphore(%run_scoped3A_59 : memref<!tpu.dma_semaphore, #tpu.memory_space<semaphore_mem>>)
        %dma_wait3A_64 = arith.constant 0 : i32
        %dma_wait3A_65 = tpu.memref_slice %arg9[%mul3A_46, %dma_wait3A_64] : memref<163840x128xf32, #tpu.memory_space<hbm>> -> memref<128x128xf32, #tpu.memory_space<hbm>>
        %dma_wait3A_66 = arith.constant 0 : i32
        %dma_wait3A_67 = tpu.memref_slice %arg9[%mul3A_46, %dma_wait3A_66] : memref<163840x128xf32, #tpu.memory_space<hbm>> -> memref<128x128xf32, #tpu.memory_space<hbm>>
        tpu.wait_dma2 semaphore(%run_scoped3A_59 : memref<!tpu.dma_semaphore, #tpu.memory_space<semaphore_mem>>) src(%dma_wait3A_67 : memref<128x128xf32, #tpu.memory_space<hbm>>) dst(%arg18 : memref<128x128xf32, #tpu.memory_space<vmem>>)
        tpu.yield
      }) : () -> ()
      "tpu.region"() ({
        %run_scoped3A_59 = tpu.sem_alloc : memref<!tpu.dma_semaphore, #tpu.memory_space<semaphore_mem>>
        %dma_start3A_60 = arith.constant 0 : i32
        %dma_start3A_61 = tpu.memref_slice %arg12[%mul3A_46, %dma_start3A_60] : memref<163840x128xf32, #tpu.memory_space<hbm>> -> memref<128x128xf32, #tpu.memory_space<hbm>>
        %dma_start3A_62 = arith.constant 0 : i32
        %dma_start3A_63 = tpu.memref_slice %arg12[%mul3A_46, %dma_start3A_62] : memref<163840x128xf32, #tpu.memory_space<hbm>> -> memref<128x128xf32, #tpu.memory_space<hbm>>
        tpu.enqueue_dma source(%dma_start3A_63 : memref<128x128xf32, #tpu.memory_space<hbm>>) target(%arg19 : memref<128x128xf32, #tpu.memory_space<vmem>>) target_semaphore(%run_scoped3A_59 : memref<!tpu.dma_semaphore, #tpu.memory_space<semaphore_mem>>)
        %dma_wait3A_64 = arith.constant 0 : i32
        %dma_wait3A_65 = tpu.memref_slice %arg12[%mul3A_46, %dma_wait3A_64] : memref<163840x128xf32, #tpu.memory_space<hbm>> -> memref<128x128xf32, #tpu.memory_space<hbm>>
        %dma_wait3A_66 = arith.constant 0 : i32
        %dma_wait3A_67 = tpu.memref_slice %arg12[%mul3A_46, %dma_wait3A_66] : memref<163840x128xf32, #tpu.memory_space<hbm>> -> memref<128x128xf32, #tpu.memory_space<hbm>>
        tpu.wait_dma2 semaphore(%run_scoped3A_59 : memref<!tpu.dma_semaphore, #tpu.memory_space<semaphore_mem>>) src(%dma_wait3A_67 : memref<128x128xf32, #tpu.memory_space<hbm>>) dst(%arg19 : memref<128x128xf32, #tpu.memory_space<vmem>>)
        tpu.yield
      }) : () -> ()
      %dma_wait3A = arith.constant 0 : i32
      %dma_wait3A_49 = arith.constant 0 : i32
      %dma_wait3A_50 = tpu.memref_slice %arg5[%dma_wait3A, %dma_wait3A_49] : memref<10000x128xf32, #tpu.memory_space<hbm>> -> memref<10000x128xf32, #tpu.memory_space<hbm>>
      tpu.wait_indirect_dma semaphore(%arg21 : memref<!tpu.dma_semaphore, #tpu.memory_space<semaphore_mem>>) src(%dma_wait3A_50 : memref<10000x128xf32, #tpu.memory_space<hbm>>) dst(%arg17 : memref<128x128xf32, #tpu.memory_space<vmem>>)
      %scan3A_51 = arith.constant 0 : i32
      %scan3A_52 = arith.constant 0 : i32
      %scan3A_53 = arith.constant 128 : i32
      %scan3A_54 = arith.addi %scan3A_52, %scan3A_53 : i32
      %scan3A_55 = arith.constant 1 : i32
      %scan3A_56 = scf.for %scan3A_59 = %scan3A_52 to %scan3A_54 step %scan3A_55 iter_args(%scan3A_60 = %scan3A_51) -> (i32)  : i32 {
        %get3A = arith.index_cast %scan3A_59 : i32 to index
        %get3A_61 = arith.constant 0 : index
        %get3A_62 = tpu.vector_load %arg17[%get3A, %get3A_61] {strides = array<i32>} : memref<128x128xf32, #tpu.memory_space<vmem>>, vector<1x16xf32>,
        %get3A_63 = vector.shape_cast %get3A_62 : vector<1x16xf32> to vector<16xf32>
        %get3A_64 = arith.index_cast %scan3A_59 : i32 to index
        %get3A_65 = arith.constant 0 : index
        %get3A_66 = tpu.vector_load %arg18[%get3A_64, %get3A_65] {strides = array<i32>} : memref<128x128xf32, #tpu.memory_space<vmem>>, vector<1x16xf32>,
        %get3A_67 = vector.shape_cast %get3A_66 : vector<1x16xf32> to vector<16xf32>
        %mul3A_68 = arith.mulf %get3A_63, %get3A_67 : vector<16xf32>
        %get3A_69 = arith.index_cast %scan3A_59 : i32 to index
        %get3A_70 = arith.constant 0 : index
        %get3A_71 = tpu.vector_load %arg19[%get3A_69, %get3A_70] {strides = array<i32>} : memref<128x128xf32, #tpu.memory_space<vmem>>, vector<1x16xf32>,
        %get3A_72 = vector.shape_cast %get3A_71 : vector<1x16xf32> to vector<16xf32>
        %add3A_73 = arith.addf %mul3A_68, %get3A_72 : vector<16xf32>
        %swap3A = arith.index_cast %scan3A_59 : i32 to index
        %swap3A_74 = arith.constant 0 : index
        %swap3A_75 = tpu.vector_load %arg17[%swap3A, %swap3A_74] {strides = array<i32>} : memref<128x128xf32, #tpu.memory_space<vmem>>, vector<1x16xf32>,
        %swap3A_76 = vector.shape_cast %swap3A_75 : vector<1x16xf32> to vector<16xf32>
        %swap3A_77 = vector.shape_cast %add3A_73 : vector<16xf32> to vector<1x16xf32>
        tpu.vector_store %arg17[%swap3A, %swap3A_74], %swap3A_77 {strides = array<i32>} : memref<128x128xf32, #tpu.memory_space<vmem>>, vector<1x16xf32>,
        %get3A_78 = arith.index_cast %scan3A_59 : i32 to index
        %get3A_79 = arith.constant 16 : index
        %get3A_80 = tpu.vector_load %arg17[%get3A_78, %get3A_79] {strides = array<i32>} : memref<128x128xf32, #tpu.memory_space<vmem>>, vector<1x16xf32>,
        %get3A_81 = vector.shape_cast %get3A_80 : vector<1x16xf32> to vector<16xf32>
        %get3A_82 = arith.index_cast %scan3A_59 : i32 to index
        %get3A_83 = arith.constant 16 : index
        %get3A_84 = tpu.vector_load %arg18[%get3A_82, %get3A_83] {strides = array<i32>} : memref<128x128xf32, #tpu.memory_space<vmem>>, vector<1x16xf32>,
        %get3A_85 = vector.shape_cast %get3A_84 : vector<1x16xf32> to vector<16xf32>
        %mul3A_86 = arith.mulf %get3A_81, %get3A_85 : vector<16xf32>
        %get3A_87 = arith.index_cast %scan3A_59 : i32 to index
        %get3A_88 = arith.constant 16 : index
        %get3A_89 = tpu.vector_load %arg19[%get3A_87, %get3A_88] {strides = array<i32>} : memref<128x128xf32, #tpu.memory_space<vmem>>, vector<1x16xf32>,
        %get3A_90 = vector.shape_cast %get3A_89 : vector<1x16xf32> to vector<16xf32>
        %add3A_91 = arith.addf %mul3A_86, %get3A_90 : vector<16xf32>
        %swap3A_92 = arith.index_cast %scan3A_59 : i32 to index
        %swap3A_93 = arith.constant 16 : index
        %swap3A_94 = tpu.vector_load %arg17[%swap3A_92, %swap3A_93] {strides = array<i32>} : memref<128x128xf32, #tpu.memory_space<vmem>>, vector<1x16xf32>,
        %swap3A_95 = vector.shape_cast %swap3A_94 : vector<1x16xf32> to vector<16xf32>
        %swap3A_96 = vector.shape_cast %add3A_91 : vector<16xf32> to vector<1x16xf32>
        tpu.vector_store %arg17[%swap3A_92, %swap3A_93], %swap3A_96 {strides = array<i32>} : memref<128x128xf32, #tpu.memory_space<vmem>>, vector<1x16xf32>,
        %get3A_97 = arith.index_cast %scan3A_59 : i32 to index
        %get3A_98 = arith.constant 32 : index
        %get3A_99 = tpu.vector_load %arg17[%get3A_97, %get3A_98] {strides = array<i32>} : memref<128x128xf32, #tpu.memory_space<vmem>>, vector<1x16xf32>,
        %get3A_100 = vector.shape_cast %get3A_99 : vector<1x16xf32> to vector<16xf32>
        %get3A_101 = arith.index_cast %scan3A_59 : i32 to index
        %get3A_102 = arith.constant 32 : index
        %get3A_103 = tpu.vector_load %arg18[%get3A_101, %get3A_102] {strides = array<i32>} : memref<128x128xf32, #tpu.memory_space<vmem>>, vector<1x16xf32>,
        %get3A_104 = vector.shape_cast %get3A_103 : vector<1x16xf32> to vector<16xf32>
        %mul3A_105 = arith.mulf %get3A_100, %get3A_104 : vector<16xf32>
        %get3A_106 = arith.index_cast %scan3A_59 : i32 to index
        %get3A_107 = arith.constant 32 : index
        %get3A_108 = tpu.vector_load %arg19[%get3A_106, %get3A_107] {strides = array<i32>} : memref<128x128xf32, #tpu.memory_space<vmem>>, vector<1x16xf32>,
        %get3A_109 = vector.shape_cast %get3A_108 : vector<1x16xf32> to vector<16xf32>
        %add3A_110 = arith.addf %mul3A_105, %get3A_109 : vector<16xf32>
        %swap3A_111 = arith.index_cast %scan3A_59 : i32 to index
        %swap3A_112 = arith.constant 32 : index
        %swap3A_113 = tpu.vector_load %arg17[%swap3A_111, %swap3A_112] {strides = array<i32>} : memref<128x128xf32, #tpu.memory_space<vmem>>, vector<1x16xf32>,
        %swap3A_114 = vector.shape_cast %swap3A_113 : vector<1x16xf32> to vector<16xf32>
        %swap3A_115 = vector.shape_cast %add3A_110 : vector<16xf32> to vector<1x16xf32>
        tpu.vector_store %arg17[%swap3A_111, %swap3A_112], %swap3A_115 {strides = array<i32>} : memref<128x128xf32, #tpu.memory_space<vmem>>, vector<1x16xf32>,
        %get3A_116 = arith.index_cast %scan3A_59 : i32 to index
        %get3A_117 = arith.constant 48 : index
        %get3A_118 = tpu.vector_load %arg17[%get3A_116, %get3A_117] {strides = array<i32>} : memref<128x128xf32, #tpu.memory_space<vmem>>, vector<1x16xf32>,
        %get3A_119 = vector.shape_cast %get3A_118 : vector<1x16xf32> to vector<16xf32>
        %get3A_120 = arith.index_cast %scan3A_59 : i32 to index
        %get3A_121 = arith.constant 48 : index
        %get3A_122 = tpu.vector_load %arg18[%get3A_120, %get3A_121] {strides = array<i32>} : memref<128x128xf32, #tpu.memory_space<vmem>>, vector<1x16xf32>,
        %get3A_123 = vector.shape_cast %get3A_122 : vector<1x16xf32> to vector<16xf32>
        %mul3A_124 = arith.mulf %get3A_119, %get3A_123 : vector<16xf32>
        %get3A_125 = arith.index_cast %scan3A_59 : i32 to index
        %get3A_126 = arith.constant 48 : index
        %get3A_127 = tpu.vector_load %arg19[%get3A_125, %get3A_126] {strides = array<i32>} : memref<128x128xf32, #tpu.memory_space<vmem>>, vector<1x16xf32>,
        %get3A_128 = vector.shape_cast %get3A_127 : vector<1x16xf32> to vector<16xf32>
        %add3A_129 = arith.addf %mul3A_124, %get3A_128 : vector<16xf32>
        %swap3A_130 = arith.index_cast %scan3A_59 : i32 to index
        %swap3A_131 = arith.constant 48 : index
        %swap3A_132 = tpu.vector_load %arg17[%swap3A_130, %swap3A_131] {strides = array<i32>} : memref<128x128xf32, #tpu.memory_space<vmem>>, vector<1x16xf32>,
        %swap3A_133 = vector.shape_cast %swap3A_132 : vector<1x16xf32> to vector<16xf32>
        %swap3A_134 = vector.shape_cast %add3A_129 : vector<16xf32> to vector<1x16xf32>
        tpu.vector_store %arg17[%swap3A_130, %swap3A_131], %swap3A_134 {strides = array<i32>} : memref<128x128xf32, #tpu.memory_space<vmem>>, vector<1x16xf32>,
        %get3A_135 = arith.index_cast %scan3A_59 : i32 to index
        %get3A_136 = arith.constant 64 : index
        %get3A_137 = tpu.vector_load %arg17[%get3A_135, %get3A_136] {strides = array<i32>} : memref<128x128xf32, #tpu.memory_space<vmem>>, vector<1x16xf32>,
        %get3A_138 = vector.shape_cast %get3A_137 : vector<1x16xf32> to vector<16xf32>
        %get3A_139 = arith.index_cast %scan3A_59 : i32 to index
        %get3A_140 = arith.constant 64 : index
        %get3A_141 = tpu.vector_load %arg18[%get3A_139, %get3A_140] {strides = array<i32>} : memref<128x128xf32, #tpu.memory_space<vmem>>, vector<1x16xf32>,
        %get3A_142 = vector.shape_cast %get3A_141 : vector<1x16xf32> to vector<16xf32>
        %mul3A_143 = arith.mulf %get3A_138, %get3A_142 : vector<16xf32>
        %get3A_144 = arith.index_cast %scan3A_59 : i32 to index
        %get3A_145 = arith.constant 64 : index
        %get3A_146 = tpu.vector_load %arg19[%get3A_144, %get3A_145] {strides = array<i32>} : memref<128x128xf32, #tpu.memory_space<vmem>>, vector<1x16xf32>,
        %get3A_147 = vector.shape_cast %get3A_146 : vector<1x16xf32> to vector<16xf32>
        %add3A_148 = arith.addf %mul3A_143, %get3A_147 : vector<16xf32>
        %swap3A_149 = arith.index_cast %scan3A_59 : i32 to index
        %swap3A_150 = arith.constant 64 : index
        %swap3A_151 = tpu.vector_load %arg17[%swap3A_149, %swap3A_150] {strides = array<i32>} : memref<128x128xf32, #tpu.memory_space<vmem>>, vector<1x16xf32>,
        %swap3A_152 = vector.shape_cast %swap3A_151 : vector<1x16xf32> to vector<16xf32>
        %swap3A_153 = vector.shape_cast %add3A_148 : vector<16xf32> to vector<1x16xf32>
        tpu.vector_store %arg17[%swap3A_149, %swap3A_150], %swap3A_153 {strides = array<i32>} : memref<128x128xf32, #tpu.memory_space<vmem>>, vector<1x16xf32>,
        %get3A_154 = arith.index_cast %scan3A_59 : i32 to index
        %get3A_155 = arith.constant 80 : index
        %get3A_156 = tpu.vector_load %arg17[%get3A_154, %get3A_155] {strides = array<i32>} : memref<128x128xf32, #tpu.memory_space<vmem>>, vector<1x16xf32>,
        %get3A_157 = vector.shape_cast %get3A_156 : vector<1x16xf32> to vector<16xf32>
        %get3A_158 = arith.index_cast %scan3A_59 : i32 to index
        %get3A_159 = arith.constant 80 : index
        %get3A_160 = tpu.vector_load %arg18[%get3A_158, %get3A_159] {strides = array<i32>} : memref<128x128xf32, #tpu.memory_space<vmem>>, vector<1x16xf32>,
        %get3A_161 = vector.shape_cast %get3A_160 : vector<1x16xf32> to vector<16xf32>
        %mul3A_162 = arith.mulf %get3A_157, %get3A_161 : vector<16xf32>
        %get3A_163 = arith.index_cast %scan3A_59 : i32 to index
        %get3A_164 = arith.constant 80 : index
        %get3A_165 = tpu.vector_load %arg19[%get3A_163, %get3A_164] {strides = array<i32>} : memref<128x128xf32, #tpu.memory_space<vmem>>, vector<1x16xf32>,
        %get3A_166 = vector.shape_cast %get3A_165 : vector<1x16xf32> to vector<16xf32>
        %add3A_167 = arith.addf %mul3A_162, %get3A_166 : vector<16xf32>
        %swap3A_168 = arith.index_cast %scan3A_59 : i32 to index
        %swap3A_169 = arith.constant 80 : index
        %swap3A_170 = tpu.vector_load %arg17[%swap3A_168, %swap3A_169] {strides = array<i32>} : memref<128x128xf32, #tpu.memory_space<vmem>>, vector<1x16xf32>,
        %swap3A_171 = vector.shape_cast %swap3A_170 : vector<1x16xf32> to vector<16xf32>
        %swap3A_172 = vector.shape_cast %add3A_167 : vector<16xf32> to vector<1x16xf32>
        tpu.vector_store %arg17[%swap3A_168, %swap3A_169], %swap3A_172 {strides = array<i32>} : memref<128x128xf32, #tpu.memory_space<vmem>>, vector<1x16xf32>,
        %get3A_173 = arith.index_cast %scan3A_59 : i32 to index
        %get3A_174 = arith.constant 96 : index
        %get3A_175 = tpu.vector_load %arg17[%get3A_173, %get3A_174] {strides = array<i32>} : memref<128x128xf32, #tpu.memory_space<vmem>>, vector<1x16xf32>,
        %get3A_176 = vector.shape_cast %get3A_175 : vector<1x16xf32> to vector<16xf32>
        %get3A_177 = arith.index_cast %scan3A_59 : i32 to index
        %get3A_178 = arith.constant 96 : index
        %get3A_179 = tpu.vector_load %arg18[%get3A_177, %get3A_178] {strides = array<i32>} : memref<128x128xf32, #tpu.memory_space<vmem>>, vector<1x16xf32>,
        %get3A_180 = vector.shape_cast %get3A_179 : vector<1x16xf32> to vector<16xf32>
        %mul3A_181 = arith.mulf %get3A_176, %get3A_180 : vector<16xf32>
        %get3A_182 = arith.index_cast %scan3A_59 : i32 to index
        %get3A_183 = arith.constant 96 : index
        %get3A_184 = tpu.vector_load %arg19[%get3A_182, %get3A_183] {strides = array<i32>} : memref<128x128xf32, #tpu.memory_space<vmem>>, vector<1x16xf32>,
        %get3A_185 = vector.shape_cast %get3A_184 : vector<1x16xf32> to vector<16xf32>
        %add3A_186 = arith.addf %mul3A_181, %get3A_185 : vector<16xf32>
        %swap3A_187 = arith.index_cast %scan3A_59 : i32 to index
        %swap3A_188 = arith.constant 96 : index
        %swap3A_189 = tpu.vector_load %arg17[%swap3A_187, %swap3A_188] {strides = array<i32>} : memref<128x128xf32, #tpu.memory_space<vmem>>, vector<1x16xf32>,
        %swap3A_190 = vector.shape_cast %swap3A_189 : vector<1x16xf32> to vector<16xf32>
        %swap3A_191 = vector.shape_cast %add3A_186 : vector<16xf32> to vector<1x16xf32>
        tpu.vector_store %arg17[%swap3A_187, %swap3A_188], %swap3A_191 {strides = array<i32>} : memref<128x128xf32, #tpu.memory_space<vmem>>, vector<1x16xf32>,
        %get3A_192 = arith.index_cast %scan3A_59 : i32 to index
        %get3A_193 = arith.constant 112 : index
        %get3A_194 = tpu.vector_load %arg17[%get3A_192, %get3A_193] {strides = array<i32>} : memref<128x128xf32, #tpu.memory_space<vmem>>, vector<1x16xf32>,
        %get3A_195 = vector.shape_cast %get3A_194 : vector<1x16xf32> to vector<16xf32>
        %get3A_196 = arith.index_cast %scan3A_59 : i32 to index
        %get3A_197 = arith.constant 112 : index
        %get3A_198 = tpu.vector_load %arg18[%get3A_196, %get3A_197] {strides = array<i32>} : memref<128x128xf32, #tpu.memory_space<vmem>>, vector<1x16xf32>,
        %get3A_199 = vector.shape_cast %get3A_198 : vector<1x16xf32> to vector<16xf32>
        %mul3A_200 = arith.mulf %get3A_195, %get3A_199 : vector<16xf32>
        %get3A_201 = arith.index_cast %scan3A_59 : i32 to index
        %get3A_202 = arith.constant 112 : index
        %get3A_203 = tpu.vector_load %arg19[%get3A_201, %get3A_202] {strides = array<i32>} : memref<128x128xf32, #tpu.memory_space<vmem>>, vector<1x16xf32>,
        %get3A_204 = vector.shape_cast %get3A_203 : vector<1x16xf32> to vector<16xf32>
        %add3A_205 = arith.addf %mul3A_200, %get3A_204 : vector<16xf32>
        %swap3A_206 = arith.index_cast %scan3A_59 : i32 to index
        %swap3A_207 = arith.constant 112 : index
        %swap3A_208 = tpu.vector_load %arg17[%swap3A_206, %swap3A_207] {strides = array<i32>} : memref<128x128xf32, #tpu.memory_space<vmem>>, vector<1x16xf32>,
        %swap3A_209 = vector.shape_cast %swap3A_208 : vector<1x16xf32> to vector<16xf32>
        %swap3A_210 = vector.shape_cast %add3A_205 : vector<16xf32> to vector<1x16xf32>
        tpu.vector_store %arg17[%swap3A_206, %swap3A_207], %swap3A_210 {strides = array<i32>} : memref<128x128xf32, #tpu.memory_space<vmem>>, vector<1x16xf32>,
        %scan3A_211 = arith.constant 0 : i32
        scf.yield %scan3A_211 : i32
      }
      %scan3A_57 = arith.constant 128 : i32
      "tpu.region"() ({
        %run_scoped3A_59 = tpu.sem_alloc : memref<!tpu.dma_semaphore, #tpu.memory_space<semaphore_mem>>
        %dma_start3A_60 = arith.constant 0 : i32
        %dma_start3A_61 = arith.constant 0 : i32
        %dma_start3A_62 = tpu.memref_slice %arg20[%dma_start3A_60, %dma_start3A_61] : memref<10112x128xf32, #tpu.memory_space<vmem_shared>> -> memref<10112x128xf32, #tpu.memory_space<vmem_shared>>
        tpu.enqueue_indirect_dma source(%arg17 : memref<128x128xf32, #tpu.memory_space<vmem>>) target(%dma_start3A_62 : memref<10112x128xf32, #tpu.memory_space<vmem_shared>>) offsets(%arg16 : memref<128xi32, #tpu.memory_space<vmem>>) semaphore(%run_scoped3A_59 : memref<!tpu.dma_semaphore, #tpu.memory_space<semaphore_mem>>) {add = true}
        %dma_wait3A_63 = arith.constant 0 : i32
        %dma_wait3A_64 = arith.constant 0 : i32
        %dma_wait3A_65 = tpu.memref_slice %arg20[%dma_wait3A_63, %dma_wait3A_64] : memref<10112x128xf32, #tpu.memory_space<vmem_shared>> -> memref<10112x128xf32, #tpu.memory_space<vmem_shared>>
        tpu.wait_indirect_dma semaphore(%run_scoped3A_59 : memref<!tpu.dma_semaphore, #tpu.memory_space<semaphore_mem>>) src(%arg17 : memref<128x128xf32, #tpu.memory_space<vmem>>) dst(%dma_wait3A_65 : memref<10112x128xf32, #tpu.memory_space<vmem_shared>>)
        tpu.yield
      }) : () -> ()
      %scan3A_58 = arith.constant 0 : i32
      scf.yield %scan3A_58 : i32
    }
    %scan3A_37 = arith.constant 40 : i32
    %barrier3A_38 = arith.constant 0 : index
    tpu.barrier barrier_id(%barrier3A_38)
    %run_scoped3A_39 = arith.constant 3 : i32
    "tpu.region"() ({
      %run_scoped3A_40 = tpu.sem_alloc : memref<!tpu.dma_semaphore, #tpu.memory_space<semaphore_mem>>
      %dma_start3A = arith.constant 0 : i32
      %dma_start3A_41 = tpu.memref_slice %arg14[%run_scoped3A_39, %arg0, %mul3A_2, %dma_start3A] : memref<4x2x10112x128xf32, #tpu.memory_space<hbm>> -> memref<1x1x632x128xf32, #tpu.memory_space<hbm>>
      %dma_start3A_42 = tpu.memref_squeeze %dma_start3A_41 : memref<1x1x632x128xf32, #tpu.memory_space<hbm>> -> memref<632x128xf32, #tpu.memory_space<hbm>>
      %dma_start3A_43 = arith.constant 0 : i32
      %dma_start3A_44 = tpu.memref_slice %arg20[%mul3A_2, %dma_start3A_43] : memref<10112x128xf32, #tpu.memory_space<vmem_shared>> -> memref<632x128xf32, #tpu.memory_space<vmem_shared>>
      tpu.enqueue_dma source(%dma_start3A_44 : memref<632x128xf32, #tpu.memory_space<vmem_shared>>) target(%dma_start3A_42 : memref<632x128xf32, #tpu.memory_space<hbm>>) target_semaphore(%run_scoped3A_40 : memref<!tpu.dma_semaphore, #tpu.memory_space<semaphore_mem>>)
      %dma_wait3A = arith.constant 0 : i32
      %dma_wait3A_45 = tpu.memref_slice %arg14[%run_scoped3A_39, %arg0, %mul3A_2, %dma_wait3A] : memref<4x2x10112x128xf32, #tpu.memory_space<hbm>> -> memref<1x1x632x128xf32, #tpu.memory_space<hbm>>
      %dma_wait3A_46 = tpu.memref_squeeze %dma_wait3A_45 : memref<1x1x632x128xf32, #tpu.memory_space<hbm>> -> memref<632x128xf32, #tpu.memory_space<hbm>>
      %dma_wait3A_47 = arith.constant 0 : i32
      %dma_wait3A_48 = tpu.memref_slice %arg20[%mul3A_2, %dma_wait3A_47] : memref<10112x128xf32, #tpu.memory_space<vmem_shared>> -> memref<632x128xf32, #tpu.memory_space<vmem_shared>>
      tpu.wait_dma2 semaphore(%run_scoped3A_40 : memref<!tpu.dma_semaphore, #tpu.memory_space<semaphore_mem>>) src(%dma_wait3A_48 : memref<632x128xf32, #tpu.memory_space<vmem_shared>>) dst(%dma_wait3A_46 : memref<632x128xf32, #tpu.memory_space<hbm>>)
      tpu.yield
    }) : () -> ()
    return
  }
}

module attributes {stable_mosaic.version = 14 : i64} {
  func.func @_mlp_body(%arg0: i32, %arg1: memref<640x20xf32, #tpu.memory_space<vmem>>, %arg2: memref<640x3xf32, #tpu.memory_space<vmem>>, %arg3: memref<20x128xf32, #tpu.memory_space<vmem>>, %arg4: memref<1x128xf32, #tpu.memory_space<vmem>>, %arg5: memref<128x384xf32, #tpu.memory_space<vmem>>, %arg6: memref<1x384xf32, #tpu.memory_space<vmem>>, %arg7: memref<640x128xf32, #tpu.memory_space<vmem>>, %arg8: memref<640x128xf32, #tpu.memory_space<vmem>>, %arg9: memref<640x128xf32, #tpu.memory_space<vmem>>, %arg10: memref<640x128xf32, #tpu.memory_space<vmem>>, %arg11: memref<640x128xf32, #tpu.memory_space<vmem>>) attributes {dimension_semantics = [#tpu.dimension_semantics<arbitrary>], iteration_bounds = array<i64: 256>, scalar_prefetch = 0 : i64, scratch_operands = 0 : i64, tpu.core_type = #tpu.core_type<tc>, window_params = [{transform_indices = @transform_0, window_bounds = array<i64: 640, 20>}, {transform_indices = @transform_1, window_bounds = array<i64: 640, 3>}, {pipeline_mode = #tpu.pipeline_mode<synchronous>, transform_indices = @transform_2, window_bounds = array<i64: 20, 128>}, {pipeline_mode = #tpu.pipeline_mode<synchronous>, transform_indices = @transform_3, window_bounds = array<i64: 1, 128>}, {pipeline_mode = #tpu.pipeline_mode<synchronous>, transform_indices = @transform_4, window_bounds = array<i64: 128, 384>}, {pipeline_mode = #tpu.pipeline_mode<synchronous>, transform_indices = @transform_5, window_bounds = array<i64: 1, 384>}, {transform_indices = @transform_6, window_bounds = array<i64: 640, 128>}, {transform_indices = @transform_7, window_bounds = array<i64: 640, 128>}, {transform_indices = @transform_8, window_bounds = array<i64: 640, 128>}, {transform_indices = @transform_9, window_bounds = array<i64: 640, 128>}, {transform_indices = @transform_10, window_bounds = array<i64: 640, 128>}]} {
    %lt3A = arith.constant 250 : i32
    %lt3A_0 = arith.cmpi slt, %arg0, %lt3A : i32
    %convert_element_type3A = arith.extui %lt3A_0 : i1 to i32
    %cond3A = arith.constant 0 : i32
    %cond3A_1 = arith.cmpi ne, %convert_element_type3A, %cond3A : i32
    scf.if %cond3A_1 {
      %get3A = arith.constant 0 : index
      %get3A_6 = arith.constant 0 : index
      %get3A_7 = vector.load %arg1[%get3A, %get3A_6] : memref<640x20xf32, #tpu.memory_space<vmem>>, vector<640x20xf32>
      %get3A_8 = arith.constant 0 : index
      %get3A_9 = arith.constant 0 : index
      %get3A_10 = vector.load %arg3[%get3A_8, %get3A_9] : memref<20x128xf32, #tpu.memory_space<vmem>>, vector<20x128xf32>
      %dot_general3A = arith.constant dense<0.000000e+00> : vector<640x128xf32>
      %dot_general3A_11 = tpu.matmul %get3A_7, %get3A_10, %dot_general3A {dimension_numbers = #tpu.dot_dimension_numbers<[1], [0], [0], [1], [0, 0, 1, 1], [], []>, transpose_lhs_hint = false} : vector<640x20xf32>, vector<20x128xf32>, vector<640x128xf32> -> vector<640x128xf32>
      %get3A_12 = arith.constant 0 : index
      %get3A_13 = arith.constant 0 : index
      %get3A_14 = vector.load %arg4[%get3A_12, %get3A_13] : memref<1x128xf32, #tpu.memory_space<vmem>>, vector<1x128xf32>
      %add3A = vector.broadcast %get3A_14 : vector<1x128xf32> to vector<640x128xf32>
      %add3A_15 = arith.addf %dot_general3A_11, %add3A : vector<640x128xf32>
      %logistic3A = arith.negf %add3A_15 : vector<640x128xf32>
      %logistic3A_16 = math.exp %logistic3A : vector<640x128xf32>
      %logistic3A_17 = arith.constant 1.000000e+00 : f32
      %logistic3A_18 = vector.broadcast %logistic3A_17 : f32 to vector<640x128xf32>
      %logistic3A_19 = arith.addf %logistic3A_18, %logistic3A_16 : vector<640x128xf32>
      %logistic3A_20 = arith.divf %logistic3A_18, %logistic3A_19 : vector<640x128xf32>
      %mul3A = arith.mulf %add3A_15, %logistic3A_20 : vector<640x128xf32>
      %get3A_21 = arith.constant 0 : index
      %get3A_22 = arith.constant 0 : index
      %get3A_23 = vector.load %arg5[%get3A_21, %get3A_22] : memref<128x384xf32, #tpu.memory_space<vmem>>, vector<128x384xf32>
      %dot_general3A_24 = arith.constant dense<0.000000e+00> : vector<640x384xf32>
      %dot_general3A_25 = tpu.matmul %mul3A, %get3A_23, %dot_general3A_24 {dimension_numbers = #tpu.dot_dimension_numbers<[1], [0], [0], [1], [0, 0, 1, 1], [], []>, transpose_lhs_hint = false} : vector<640x128xf32>, vector<128x384xf32>, vector<640x384xf32> -> vector<640x384xf32>
      %get3A_26 = arith.constant 0 : index
      %get3A_27 = arith.constant 0 : index
      %get3A_28 = vector.load %arg6[%get3A_26, %get3A_27] : memref<1x384xf32, #tpu.memory_space<vmem>>, vector<1x384xf32>
      %add3A_29 = vector.broadcast %get3A_28 : vector<1x384xf32> to vector<640x384xf32>
      %add3A_30 = arith.addf %dot_general3A_25, %add3A_29 : vector<640x384xf32>
      %slice3A = vector.extract_strided_slice %add3A_30 {offsets = [0, 0], sizes = [640, 128], strides = [1, 1]} : vector<640x384xf32> to vector<640x128xf32>
      %swap3A = arith.constant 0 : index
      %swap3A_31 = arith.constant 0 : index
      %swap3A_32 = vector.load %arg7[%swap3A, %swap3A_31] : memref<640x128xf32, #tpu.memory_space<vmem>>, vector<640x128xf32>
      tpu.vector_store %arg7[%swap3A, %swap3A_31], %slice3A {strides = array<i32>} : memref<640x128xf32, #tpu.memory_space<vmem>>, vector<640x128xf32>,
      %slice3A_33 = vector.extract_strided_slice %add3A_30 {offsets = [0, 128], sizes = [640, 128], strides = [1, 1]} : vector<640x384xf32> to vector<640x128xf32>
      %swap3A_34 = arith.constant 0 : index
      %swap3A_35 = arith.constant 0 : index
      %swap3A_36 = vector.load %arg8[%swap3A_34, %swap3A_35] : memref<640x128xf32, #tpu.memory_space<vmem>>, vector<640x128xf32>
      tpu.vector_store %arg8[%swap3A_34, %swap3A_35], %slice3A_33 {strides = array<i32>} : memref<640x128xf32, #tpu.memory_space<vmem>>, vector<640x128xf32>,
      %slice3A_37 = vector.extract_strided_slice %add3A_30 {offsets = [0, 256], sizes = [640, 128], strides = [1, 1]} : vector<640x384xf32> to vector<640x128xf32>
      %get3A_38 = arith.constant 0 : index
      %get3A_39 = arith.constant 0 : index
      %get3A_40 = vector.load %arg2[%get3A_38, %get3A_39] : memref<640x3xf32, #tpu.memory_space<vmem>>, vector<640x1xf32>
      %mul3A_41 = vector.broadcast %get3A_40 : vector<640x1xf32> to vector<640x128xf32>
      %mul3A_42 = arith.mulf %slice3A_37, %mul3A_41 : vector<640x128xf32>
      %swap3A_43 = arith.constant 0 : index
      %swap3A_44 = arith.constant 0 : index
      %swap3A_45 = vector.load %arg9[%swap3A_43, %swap3A_44] : memref<640x128xf32, #tpu.memory_space<vmem>>, vector<640x128xf32>
      tpu.vector_store %arg9[%swap3A_43, %swap3A_44], %mul3A_42 {strides = array<i32>} : memref<640x128xf32, #tpu.memory_space<vmem>>, vector<640x128xf32>,
      %get3A_46 = arith.constant 0 : index
      %get3A_47 = arith.constant 1 : index
      %get3A_48 = vector.load %arg2[%get3A_46, %get3A_47] : memref<640x3xf32, #tpu.memory_space<vmem>>, vector<640x1xf32>
      %mul3A_49 = vector.broadcast %get3A_48 : vector<640x1xf32> to vector<640x128xf32>
      %mul3A_50 = arith.mulf %slice3A_37, %mul3A_49 : vector<640x128xf32>
      %swap3A_51 = arith.constant 0 : index
      %swap3A_52 = arith.constant 0 : index
      %swap3A_53 = vector.load %arg10[%swap3A_51, %swap3A_52] : memref<640x128xf32, #tpu.memory_space<vmem>>, vector<640x128xf32>
      tpu.vector_store %arg10[%swap3A_51, %swap3A_52], %mul3A_50 {strides = array<i32>} : memref<640x128xf32, #tpu.memory_space<vmem>>, vector<640x128xf32>,
      %get3A_54 = arith.constant 0 : index
      %get3A_55 = arith.constant 2 : index
      %get3A_56 = vector.load %arg2[%get3A_54, %get3A_55] : memref<640x3xf32, #tpu.memory_space<vmem>>, vector<640x1xf32>
      %mul3A_57 = vector.broadcast %get3A_56 : vector<640x1xf32> to vector<640x128xf32>
      %mul3A_58 = arith.mulf %slice3A_37, %mul3A_57 : vector<640x128xf32>
      %swap3A_59 = arith.constant 0 : index
      %swap3A_60 = arith.constant 0 : index
      %swap3A_61 = vector.load %arg11[%swap3A_59, %swap3A_60] : memref<640x128xf32, #tpu.memory_space<vmem>>, vector<640x128xf32>
      tpu.vector_store %arg11[%swap3A_59, %swap3A_60], %mul3A_58 {strides = array<i32>} : memref<640x128xf32, #tpu.memory_space<vmem>>, vector<640x128xf32>,
    } else {
    }
    %ge3A = arith.constant 250 : i32
    %ge3A_2 = arith.cmpi sge, %arg0, %ge3A : i32
    %convert_element_type3A_3 = arith.extui %ge3A_2 : i1 to i32
    %cond3A_4 = arith.constant 0 : i32
    %cond3A_5 = arith.cmpi ne, %convert_element_type3A_3, %cond3A_4 : i32
    scf.if %cond3A_5 {
      %broadcast_in_dim3A = arith.constant 0.000000e+00 : f32
      %broadcast_in_dim3A_6 = vector.broadcast %broadcast_in_dim3A : f32 to vector<640x128xf32>
      %swap3A = arith.constant 0 : index
      %swap3A_7 = arith.constant 0 : index
      %swap3A_8 = vector.load %arg7[%swap3A, %swap3A_7] : memref<640x128xf32, #tpu.memory_space<vmem>>, vector<640x128xf32>
      tpu.vector_store %arg7[%swap3A, %swap3A_7], %broadcast_in_dim3A_6 {strides = array<i32>} : memref<640x128xf32, #tpu.memory_space<vmem>>, vector<640x128xf32>,
      %swap3A_9 = arith.constant 0 : index
      %swap3A_10 = arith.constant 0 : index
      %swap3A_11 = vector.load %arg8[%swap3A_9, %swap3A_10] : memref<640x128xf32, #tpu.memory_space<vmem>>, vector<640x128xf32>
      tpu.vector_store %arg8[%swap3A_9, %swap3A_10], %broadcast_in_dim3A_6 {strides = array<i32>} : memref<640x128xf32, #tpu.memory_space<vmem>>, vector<640x128xf32>,
      %swap3A_12 = arith.constant 0 : index
      %swap3A_13 = arith.constant 0 : index
      %swap3A_14 = vector.load %arg9[%swap3A_12, %swap3A_13] : memref<640x128xf32, #tpu.memory_space<vmem>>, vector<640x128xf32>
      tpu.vector_store %arg9[%swap3A_12, %swap3A_13], %broadcast_in_dim3A_6 {strides = array<i32>} : memref<640x128xf32, #tpu.memory_space<vmem>>, vector<640x128xf32>,
      %swap3A_15 = arith.constant 0 : index
      %swap3A_16 = arith.constant 0 : index
      %swap3A_17 = vector.load %arg10[%swap3A_15, %swap3A_16] : memref<640x128xf32, #tpu.memory_space<vmem>>, vector<640x128xf32>
      tpu.vector_store %arg10[%swap3A_15, %swap3A_16], %broadcast_in_dim3A_6 {strides = array<i32>} : memref<640x128xf32, #tpu.memory_space<vmem>>, vector<640x128xf32>,
      %swap3A_18 = arith.constant 0 : index
      %swap3A_19 = arith.constant 0 : index
      %swap3A_20 = vector.load %arg11[%swap3A_18, %swap3A_19] : memref<640x128xf32, #tpu.memory_space<vmem>>, vector<640x128xf32>
      tpu.vector_store %arg11[%swap3A_18, %swap3A_19], %broadcast_in_dim3A_6 {strides = array<i32>} : memref<640x128xf32, #tpu.memory_space<vmem>>, vector<640x128xf32>,
    } else {
    }
    return
  }
  func.func @transform_0(%arg0: i32) -> (i32, i32) {
    %c0_i32 = arith.constant 0 : i32
    %c0_i32_0 = arith.constant 0 : i32
    return %arg0, %c0_i32 : i32, i32
  }
  func.func @transform_1(%arg0: i32) -> (i32, i32) {
    %c0_i32 = arith.constant 0 : i32
    %c0_i32_0 = arith.constant 0 : i32
    return %arg0, %c0_i32 : i32, i32
  }
  func.func @transform_2(%arg0: i32) -> (i32, i32) {
    %c0_i32 = arith.constant 0 : i32
    %c0_i32_0 = arith.constant 0 : i32
    %c0_i32_1 = arith.constant 0 : i32
    return %c0_i32, %c0_i32_0 : i32, i32
  }
  func.func @transform_3(%arg0: i32) -> (i32, i32) {
    %c0_i32 = arith.constant 0 : i32
    %c0_i32_0 = arith.constant 0 : i32
    %c0_i32_1 = arith.constant 0 : i32
    return %c0_i32, %c0_i32_0 : i32, i32
  }
  func.func @transform_4(%arg0: i32) -> (i32, i32) {
    %c0_i32 = arith.constant 0 : i32
    %c0_i32_0 = arith.constant 0 : i32
    %c0_i32_1 = arith.constant 0 : i32
    return %c0_i32, %c0_i32_0 : i32, i32
  }
  func.func @transform_5(%arg0: i32) -> (i32, i32) {
    %c0_i32 = arith.constant 0 : i32
    %c0_i32_0 = arith.constant 0 : i32
    %c0_i32_1 = arith.constant 0 : i32
    return %c0_i32, %c0_i32_0 : i32, i32
  }
  func.func @transform_6(%arg0: i32) -> (i32, i32) {
    %c0_i32 = arith.constant 0 : i32
    %c0_i32_0 = arith.constant 0 : i32
    return %arg0, %c0_i32 : i32, i32
  }
  func.func @transform_7(%arg0: i32) -> (i32, i32) {
    %c0_i32 = arith.constant 0 : i32
    %c0_i32_0 = arith.constant 0 : i32
    return %arg0, %c0_i32 : i32, i32
  }
  func.func @transform_8(%arg0: i32) -> (i32, i32) {
    %c0_i32 = arith.constant 0 : i32
    %c0_i32_0 = arith.constant 0 : i32
    return %arg0, %c0_i32 : i32, i32
  }
  func.func @transform_9(%arg0: i32) -> (i32, i32) {
    %c0_i32 = arith.constant 0 : i32
    %c0_i32_0 = arith.constant 0 : i32
    return %arg0, %c0_i32 : i32, i32
  }
  func.func @transform_10(%arg0: i32) -> (i32, i32) {
    %c0_i32 = arith.constant 0 : i32
    %c0_i32_0 = arith.constant 0 : i32
    return %arg0, %c0_i32 : i32, i32
  }
}

module attributes {stable_mosaic.version = 14 : i64} {
  func.func @_combine_body(%arg0: i32, %arg1: memref<400x128xf32, #tpu.memory_space<vmem>>, %arg2: memref<400x3x128xf32, #tpu.memory_space<vmem>>, %arg3: memref<4x2x400x128xf32, #tpu.memory_space<vmem>>, %arg4: memref<400x128xf32, #tpu.memory_space<vmem>>, %arg5: memref<400x3x128xf32, #tpu.memory_space<vmem>>) attributes {dimension_semantics = [#tpu.dimension_semantics<arbitrary>], iteration_bounds = array<i64: 25>, scalar_prefetch = 0 : i64, scratch_operands = 0 : i64, tpu.core_type = #tpu.core_type<tc>, window_params = [{transform_indices = @transform_0, window_bounds = array<i64: 400, 128>}, {transform_indices = @transform_1, window_bounds = array<i64: 400, 3, 128>}, {transform_indices = @transform_2, window_bounds = array<i64: 4, 2, 400, 128>}, {transform_indices = @transform_3, window_bounds = array<i64: 400, 128>}, {transform_indices = @transform_4, window_bounds = array<i64: 400, 3, 128>}]} {
    %get3A = arith.constant 0 : index
    %get3A_0 = arith.constant 0 : index
    %get3A_1 = vector.load %arg1[%get3A, %get3A_0] : memref<400x128xf32, #tpu.memory_space<vmem>>, vector<400x128xf32>
    %get3A_2 = arith.constant 0 : index
    %get3A_3 = arith.constant 0 : index
    %get3A_4 = arith.constant 0 : index
    %get3A_5 = arith.constant 0 : index
    %get3A_6 = vector.load %arg3[%get3A_2, %get3A_3, %get3A_4, %get3A_5] : memref<4x2x400x128xf32, #tpu.memory_space<vmem>>, vector<1x1x400x128xf32>
    %get3A_7 = vector.shape_cast %get3A_6 : vector<1x1x400x128xf32> to vector<400x128xf32>
    %add3A = arith.addf %get3A_1, %get3A_7 : vector<400x128xf32>
    %get3A_8 = arith.constant 0 : index
    %get3A_9 = arith.constant 1 : index
    %get3A_10 = arith.constant 0 : index
    %get3A_11 = arith.constant 0 : index
    %get3A_12 = vector.load %arg3[%get3A_8, %get3A_9, %get3A_10, %get3A_11] : memref<4x2x400x128xf32, #tpu.memory_space<vmem>>, vector<1x1x400x128xf32>
    %get3A_13 = vector.shape_cast %get3A_12 : vector<1x1x400x128xf32> to vector<400x128xf32>
    %add3A_14 = arith.addf %add3A, %get3A_13 : vector<400x128xf32>
    %swap3A = arith.constant 0 : index
    %swap3A_15 = arith.constant 0 : index
    %swap3A_16 = vector.load %arg4[%swap3A, %swap3A_15] : memref<400x128xf32, #tpu.memory_space<vmem>>, vector<400x128xf32>
    tpu.vector_store %arg4[%swap3A, %swap3A_15], %add3A_14 {strides = array<i32>} : memref<400x128xf32, #tpu.memory_space<vmem>>, vector<400x128xf32>,
    %get3A_17 = arith.constant 0 : index
    %get3A_18 = arith.constant 0 : index
    %get3A_19 = arith.constant 0 : index
    %get3A_20 = vector.load %arg2[%get3A_17, %get3A_18, %get3A_19] : memref<400x3x128xf32, #tpu.memory_space<vmem>>, vector<400x1x128xf32>
    %get3A_21 = vector.shape_cast %get3A_20 : vector<400x1x128xf32> to vector<400x128xf32>
    %get3A_22 = arith.constant 1 : index
    %get3A_23 = arith.constant 0 : index
    %get3A_24 = arith.constant 0 : index
    %get3A_25 = arith.constant 0 : index
    %get3A_26 = vector.load %arg3[%get3A_22, %get3A_23, %get3A_24, %get3A_25] : memref<4x2x400x128xf32, #tpu.memory_space<vmem>>, vector<1x1x400x128xf32>
    %get3A_27 = vector.shape_cast %get3A_26 : vector<1x1x400x128xf32> to vector<400x128xf32>
    %add3A_28 = arith.addf %get3A_21, %get3A_27 : vector<400x128xf32>
    %get3A_29 = arith.constant 1 : index
    %get3A_30 = arith.constant 1 : index
    %get3A_31 = arith.constant 0 : index
    %get3A_32 = arith.constant 0 : index
    %get3A_33 = vector.load %arg3[%get3A_29, %get3A_30, %get3A_31, %get3A_32] : memref<4x2x400x128xf32, #tpu.memory_space<vmem>>, vector<1x1x400x128xf32>
    %get3A_34 = vector.shape_cast %get3A_33 : vector<1x1x400x128xf32> to vector<400x128xf32>
    %add3A_35 = arith.addf %add3A_28, %get3A_34 : vector<400x128xf32>
    %swap3A_36 = arith.constant 0 : index
    %swap3A_37 = arith.constant 0 : index
    %swap3A_38 = arith.constant 0 : index
    %swap3A_39 = vector.load %arg5[%swap3A_36, %swap3A_37, %swap3A_38] : memref<400x3x128xf32, #tpu.memory_space<vmem>>, vector<400x1x128xf32>
    %swap3A_40 = vector.shape_cast %swap3A_39 : vector<400x1x128xf32> to vector<400x128xf32>
    %swap3A_41 = vector.shape_cast %add3A_35 : vector<400x128xf32> to vector<400x1x128xf32>
    tpu.vector_store %arg5[%swap3A_36, %swap3A_37, %swap3A_38], %swap3A_41 {strides = array<i32>} : memref<400x3x128xf32, #tpu.memory_space<vmem>>, vector<400x1x128xf32>,
    %get3A_42 = arith.constant 0 : index
    %get3A_43 = arith.constant 1 : index
    %get3A_44 = arith.constant 0 : index
    %get3A_45 = vector.load %arg2[%get3A_42, %get3A_43, %get3A_44] : memref<400x3x128xf32, #tpu.memory_space<vmem>>, vector<400x1x128xf32>
    %get3A_46 = vector.shape_cast %get3A_45 : vector<400x1x128xf32> to vector<400x128xf32>
    %get3A_47 = arith.constant 2 : index
    %get3A_48 = arith.constant 0 : index
    %get3A_49 = arith.constant 0 : index
    %get3A_50 = arith.constant 0 : index
    %get3A_51 = vector.load %arg3[%get3A_47, %get3A_48, %get3A_49, %get3A_50] : memref<4x2x400x128xf32, #tpu.memory_space<vmem>>, vector<1x1x400x128xf32>
    %get3A_52 = vector.shape_cast %get3A_51 : vector<1x1x400x128xf32> to vector<400x128xf32>
    %add3A_53 = arith.addf %get3A_46, %get3A_52 : vector<400x128xf32>
    %get3A_54 = arith.constant 2 : index
    %get3A_55 = arith.constant 1 : index
    %get3A_56 = arith.constant 0 : index
    %get3A_57 = arith.constant 0 : index
    %get3A_58 = vector.load %arg3[%get3A_54, %get3A_55, %get3A_56, %get3A_57] : memref<4x2x400x128xf32, #tpu.memory_space<vmem>>, vector<1x1x400x128xf32>
    %get3A_59 = vector.shape_cast %get3A_58 : vector<1x1x400x128xf32> to vector<400x128xf32>
    %add3A_60 = arith.addf %add3A_53, %get3A_59 : vector<400x128xf32>
    %swap3A_61 = arith.constant 0 : index
    %swap3A_62 = arith.constant 1 : index
    %swap3A_63 = arith.constant 0 : index
    %swap3A_64 = vector.load %arg5[%swap3A_61, %swap3A_62, %swap3A_63] : memref<400x3x128xf32, #tpu.memory_space<vmem>>, vector<400x1x128xf32>
    %swap3A_65 = vector.shape_cast %swap3A_64 : vector<400x1x128xf32> to vector<400x128xf32>
    %swap3A_66 = vector.shape_cast %add3A_60 : vector<400x128xf32> to vector<400x1x128xf32>
    tpu.vector_store %arg5[%swap3A_61, %swap3A_62, %swap3A_63], %swap3A_66 {strides = array<i32>} : memref<400x3x128xf32, #tpu.memory_space<vmem>>, vector<400x1x128xf32>,
    %get3A_67 = arith.constant 0 : index
    %get3A_68 = arith.constant 2 : index
    %get3A_69 = arith.constant 0 : index
    %get3A_70 = vector.load %arg2[%get3A_67, %get3A_68, %get3A_69] : memref<400x3x128xf32, #tpu.memory_space<vmem>>, vector<400x1x128xf32>
    %get3A_71 = vector.shape_cast %get3A_70 : vector<400x1x128xf32> to vector<400x128xf32>
    %get3A_72 = arith.constant 3 : index
    %get3A_73 = arith.constant 0 : index
    %get3A_74 = arith.constant 0 : index
    %get3A_75 = arith.constant 0 : index
    %get3A_76 = vector.load %arg3[%get3A_72, %get3A_73, %get3A_74, %get3A_75] : memref<4x2x400x128xf32, #tpu.memory_space<vmem>>, vector<1x1x400x128xf32>
    %get3A_77 = vector.shape_cast %get3A_76 : vector<1x1x400x128xf32> to vector<400x128xf32>
    %add3A_78 = arith.addf %get3A_71, %get3A_77 : vector<400x128xf32>
    %get3A_79 = arith.constant 3 : index
    %get3A_80 = arith.constant 1 : index
    %get3A_81 = arith.constant 0 : index
    %get3A_82 = arith.constant 0 : index
    %get3A_83 = vector.load %arg3[%get3A_79, %get3A_80, %get3A_81, %get3A_82] : memref<4x2x400x128xf32, #tpu.memory_space<vmem>>, vector<1x1x400x128xf32>
    %get3A_84 = vector.shape_cast %get3A_83 : vector<1x1x400x128xf32> to vector<400x128xf32>
    %add3A_85 = arith.addf %add3A_78, %get3A_84 : vector<400x128xf32>
    %swap3A_86 = arith.constant 0 : index
    %swap3A_87 = arith.constant 2 : index
    %swap3A_88 = arith.constant 0 : index
    %swap3A_89 = vector.load %arg5[%swap3A_86, %swap3A_87, %swap3A_88] : memref<400x3x128xf32, #tpu.memory_space<vmem>>, vector<400x1x128xf32>
    %swap3A_90 = vector.shape_cast %swap3A_89 : vector<400x1x128xf32> to vector<400x128xf32>
    %swap3A_91 = vector.shape_cast %add3A_85 : vector<400x128xf32> to vector<400x1x128xf32>
    tpu.vector_store %arg5[%swap3A_86, %swap3A_87, %swap3A_88], %swap3A_91 {strides = array<i32>} : memref<400x3x128xf32, #tpu.memory_space<vmem>>, vector<400x1x128xf32>,
    return
  }
  func.func @transform_0(%arg0: i32) -> (i32, i32) {
    %c0_i32 = arith.constant 0 : i32
    %c0_i32_0 = arith.constant 0 : i32
    return %arg0, %c0_i32 : i32, i32
  }
  func.func @transform_1(%arg0: i32) -> (i32, i32, i32) {
    %c0_i32 = arith.constant 0 : i32
    %c0_i32_0 = arith.constant 0 : i32
    %c0_i32_1 = arith.constant 0 : i32
    return %arg0, %c0_i32, %c0_i32_0 : i32, i32, i32
  }
  func.func @transform_2(%arg0: i32) -> (i32, i32, i32, i32) {
    %c0_i32 = arith.constant 0 : i32
    %c0_i32_0 = arith.constant 0 : i32
    %c0_i32_1 = arith.constant 0 : i32
    %c0_i32_2 = arith.constant 0 : i32
    return %c0_i32, %c0_i32_0, %arg0, %c0_i32_1 : i32, i32, i32, i32
  }
  func.func @transform_3(%arg0: i32) -> (i32, i32) {
    %c0_i32 = arith.constant 0 : i32
    %c0_i32_0 = arith.constant 0 : i32
    return %arg0, %c0_i32 : i32, i32
  }
  func.func @transform_4(%arg0: i32) -> (i32, i32, i32) {
    %c0_i32 = arith.constant 0 : i32
    %c0_i32_0 = arith.constant 0 : i32
    %c0_i32_1 = arith.constant 0 : i32
    return %arg0, %c0_i32, %c0_i32_0 : i32, i32, i32
  }
}

</mosaic_0001>

<sc_bundles>
// kernel: kernel.5.cloned.1.call-start
scs
__scs_entry_jumppad:
0x0: {  	(pc) =	sbr.rel $0x88, $3  }
0x1: {  	(tag) =	ssettag $0x0;
	lr =	simm.s32 $0x1  }
0x2: {  	[smem:$0x3F98] =	sst lr;
	_ =	strace $0xD0000000  }
0x3: {  	_ = 	snop  }
0x4: {  	_ = 	snop  }
0x5: {  	_ = 	snop  }
0x6: {  	_ = 	snop  }
0x7: {  	_ = 	snop  }
__scs_overlays_trampoline_lowered:
0x8: {  	[smem:$0x3FA7] =	sst s0  }
0x9: {  	[smem:$0x3FA8] =	sst s1  }
0xa: {  	[smem:$0x3FA9] =	sst s2  }
0xb: {  	[smem:$0x3FAA] =	sst s3  }
0xc: {  	[smem:$0x3FAB] =	sst s4  }
0xd: {  	[smem:$0x3FAC] =	sst s5  }
0xe: {  	[smem:$0x3FAD] =	sst s6  }
0xf: {  	[smem:$0x3FAE] =	sst s7  }
0x10: {  	[smem:$0x3FAF] =	sst s8  }
0x11: {  	[smem:$0x3FB0] =	sst s9;
	s0 =	simm.s32 @!p0 $0x0  }
0x12: {  	s1 =	sld [smem:$0x3F96];
	s0 =	simm.s32 @p0 $0x1  }
0x13: {  	[smem:$0x3FB1] =	sst s0;
	s0 =	simm.s32 @!p1 $0x0  }
0x14: {  	s2 =	sld [smem:$0x3F95];
	s0 =	simm.s32 @p1 $0x1  }
0x15: {  	[smem:$0x3FB2] =	sst s0;
	s0 =	simm.s32 @!p2 $0x0  }
0x16: {  	s3 =	sld [smem:$0x3FDB];
	s0 =	simm.s32 @p2 $0x1  }
0x17: {  	s4 =	simm.s32 $0x1BF5;
	[smem:$0x3FB4] =	sst s0  }
0x18: {  	s0 =	sld [smem:$0x3F97];
	_ =	swait.ge [sflag:s4], $0x0  }
0x19: {  	s7 =	sld [smem:$0x3F98]  }
0x1a: {  	s8 =	sadd.s32 $0xFFFFE003, lr  }
0x1b: {  	s9 =	sadd.s32 $0xFFFFFEF7, lr;
	s5 =	simm.s32 $0xFFFFFFFF;
	p2 =	slt.u32 s8, $0xFFFFF086  }
0x1c: {  	p1 =	slt.u32 s9, $0xF7A;
	s5 =	simm.s32 @!p2 $0x0  }
0x1d: {  	s5 =	simm.s32 @p1 $0x1;
	p0 =	seq.s32 s7, s2  }
0x1e: {  	s7 =	smul.u32 @!p0 $0xF7A, s2;
	p2 =	seq.s32 @!p0 s5, $0x0  }
0x1f: {  	s9 =	smul.u32 $0xF7A, s1;
	s8 =	simm.s32 @!p0 $0x1BF5;
	p2 =	por !p2, p0  }
0x20: {  	[sflag:s8] =	ssyncset.s32 @!p0 $0xFFFFF086;
	s6 =	sadd.s32 @!p0 s3, s7;
	s7 =	simm.s32 @!p0 $0x108  }
0x21: {  	s3 =	sadd.s32 s3, s9;
	s6 =	sadd.s32 @!p0 $0x88, s6;
	s7 =	simm.s32 @p2 $0x1082  }
0x22: {  	[simem:s7], [sflag:s8] =	dma.local @!p0 [hbm:s6], $0xF7A  }
0x23: {  	s9 =	sor.u32 $0xD0000000, s2;
	s6 =	simm.s32 $0x108;
	_ =	swait.ge @!p0 [sflag:s8], $0x0  }
0x24: {  	s3 =	sadd.s32 $0x88, s3;
	s6 =	simm.s32 @!p1 $0x1082;
	[sflag:s4] =	ssyncset.s32 $0xFFFFF086  }
0x25: {  	[simem:s6], [sflag:s4] =	dma.local [hbm:s3], $0xF7A  }
0x26: {  	[smem:$0x3F98] =	sst s1;
	(tag) =	ssettag s2;
	_ =	strace s9  }
0x27: {  	s1 =	sld [smem:$0x3FA8]  }
0x28: {  	s2 =	sld [smem:$0x3FA9]  }
0x29: {  	s4 =	sld [smem:$0x3FAB]  }
0x2a: {  	p0 =	seq.s32 s5, $0x0;
	s5 =	sld [smem:$0x3FAC]  }
0x2b: {  	s6 =	sld [smem:$0x3FAD]  }
0x2c: {  	s7 =	sld [smem:$0x3FAE]  }
0x2d: {  	s3 =	simm.s32 $0x108;
	s8 =	sld [smem:$0x3FAF]  }
0x2e: {  	s3 =	simm.s32 @!p0 $0x1082;
	s9 =	sld [smem:$0x3FB0]  }
0x2f: {  	lr =	sadd.s32 s0, s3;
	s0 =	sld [smem:$0x3FA7]  }
0x30: {  	s3 =	sld [smem:$0x3FAA]  }
0x31: {  	[smem:$0x3FB3] =	sst s10  }
0x32: {  	s10 =	sld [smem:$0x3FB1];
	_ =	sdelay $0x3  }
0x33: {  	p0 =	seq.s32 s10, $0x1;
	s10 =	sld [smem:$0x3FB3];
	_ =	sdelay $0x3  }
0x34: {  	[smem:$0x3FB3] =	sst s10  }
0x35: {  	s10 =	sld [smem:$0x3FB2];
	_ =	sdelay $0x3  }
0x36: {  	p1 =	seq.s32 s10, $0x1;
	s10 =	sld [smem:$0x3FB3];
	_ =	sdelay $0x3  }
0x37: {  	[smem:$0x3FB3] =	sst s10  }
0x38: {  	s10 =	sld [smem:$0x3FB4]  }
0x39: {  	_ = 	snop;
	(pc) =	sbr.ind lr, $3  }
0x3a: {  	_ = 	snop  }
0x3b: {  	_ = 	snop  }
0x3c: {  	p2 =	seq.s32 s10, $0x1;
	s10 =	sld [smem:$0x3FB3]  }
0x3d: {  	_ =	shalt  }
0x3e: {  	_ =	shalt  }
0x3f: {  	_ =	shalt  }
0x40: {  	_ =	shalt  }
0x41: {  	_ =	shalt  }
0x42: {  	_ =	shalt  }
0x43: {  	_ =	shalt  }
0x44: {  	_ =	shalt  }
0x45: {  	_ =	shalt  }
0x46: {  	_ =	shalt  }
0x47: {  	_ =	shalt  }
0x48: {  	_ =	shalt  }
0x49: {  	_ =	shalt  }
0x4a: {  	_ =	shalt  }
0x4b: {  	_ =	shalt  }
0x4c: {  	_ =	shalt  }
0x4d: {  	_ =	shalt  }
0x4e: {  	_ =	shalt  }
0x4f: {  	_ =	shalt  }
0x50: {  	_ =	shalt  }
0x51: {  	_ =	shalt  }
0x52: {  	_ =	shalt  }
0x53: {  	_ =	shalt  }
0x54: {  	_ =	shalt  }
0x55: {  	_ =	shalt  }
0x56: {  	_ =	shalt  }
0x57: {  	_ =	shalt  }
0x58: {  	_ =	shalt  }
0x59: {  	_ =	shalt  }
0x5a: {  	_ =	shalt  }
0x5b: {  	_ =	shalt  }
0x5c: {  	_ =	shalt  }
0x5d: {  	_ =	shalt  }
0x5e: {  	_ =	shalt  }
0x5f: {  	_ =	shalt  }
0x60: {  	_ =	shalt  }
0x61: {  	_ =	shalt  }
0x62: {  	_ =	shalt  }
0x63: {  	_ =	shalt  }
0x64: {  	_ =	shalt  }
0x65: {  	_ =	shalt  }
0x66: {  	_ =	shalt  }
0x67: {  	_ =	shalt  }
0x68: {  	_ =	shalt  }
0x69: {  	_ =	shalt  }
0x6a: {  	_ =	shalt  }
0x6b: {  	_ =	shalt  }
0x6c: {  	_ =	shalt  }
0x6d: {  	_ =	shalt  }
0x6e: {  	_ =	shalt  }
0x6f: {  	_ =	shalt  }
0x70: {  	_ =	shalt  }
0x71: {  	_ =	shalt  }
0x72: {  	_ =	shalt  }
0x73: {  	_ =	shalt  }
0x74: {  	_ =	shalt  }
0x75: {  	_ =	shalt  }
0x76: {  	_ =	shalt  }
0x77: {  	_ =	shalt  }
0x78: {  	_ =	shalt  }
0x79: {  	_ =	shalt  }
0x7a: {  	_ =	shalt  }
0x7b: {  	_ =	shalt  }
0x7c: {  	_ =	shalt  }
0x7d: {  	_ =	shalt  }
0x7e: {  	_ =	shalt  }
0x7f: {  	_ =	shalt  }
0x80: {  	_ =	shalt  }
0x81: {  	_ =	shalt  }
0x82: {  	_ =	shalt  }
0x83: {  	_ =	shalt  }
0x84: {  	_ =	shalt  }
0x85: {  	_ =	shalt  }
0x86: {  	_ =	shalt  }
0x87: {  	_ =	shalt  }
.Lfunc_end0:
.L_simem_size_0:
called_computation_lowered:
.L_overlay_start_0:
0x88: {  	s2 =	sld [smem:$0x3FD9]  }
0x89: {  	s3 =	sld [smem:$0x3FFE];
	_ =	sdelay $0x1  }
0x8a: {  	s1 =	srdreg.scid  }
0x8b: {  	s0 =	sand.u32 $0x1, s1  }
0x8c: {  	s14 =	sshll.u32 s0, $0xA;
	s2 =	sadd.s32 s3, s2  }
0x8d: {  	s2 =	sadd.s32 s2, s14  }
0x8e: {  	[smem:$0x3FBF] =	sst s2  }
0x8f: {  	_ = 	snop  }
0x90: {  	s2 =	sld [smem:$0x3FD0];
	_ =	sdelay $0x2  }
0x91: {  	s4 =	simm.s32 $0xA;
	s5 =	simm.s32 $0x10;
	s15 =	sld [smem:$0x3FC9]  }
0x92: {  	[smem:s5], [sflag:s4] =	dma.local [hbm:s2], $0x1  }
0x93: {  	_ =	swait.eq [sflag:s4], $0x1  }
0x94: {  	[sflag:s4] =	ssyncset.done $0x0  }
0x95: {  	s16 =	sld [smem:$0x10];
	[sflag:s4] =	ssyncadd.s32 $0xFFFFFFFF  }
0x96: {  	s17 =	sld [smem:$0x11];
	(tm) =	ssettm $0x1  }
0x97: {  	s18 =	sld [smem:$0x3FFB];
	_ =	sdelay $0x3  }
0x98: {  	_ =	strace s18  }
0x99: {  	s5 =	sld [smem:$0x3FFC];
	_ =	sdelay $0x3  }
0x9a: {  	_ =	strace s5  }
0x9b: {  	s5 =	sld [smem:$0x3FFD];
	_ =	sdelay $0x3  }
0x9c: {  	_ =	strace s5  }
0x9d: {  	_ =	strace $0x8FFFFFFF  }
0x9e: {  	s19 =	sld [smem:$0x3FDB];
	_ =	sdelay $0x1  }
0x9f: {  	s6 =	simm.s32 $_scs_section_size  }
0xa0: {  	s7 =	simm.s32 $_size__tile_overlayer_lowered;
	s8 =	simm.s32 $_tile_overlayer_lowered  }
0xa1: {  	s22 =	simm.s32 $0x1BFF;
	s21 =	sshll.u32 s8, $0x1;
	s5 =	sadd.s32 s6, s19  }
0xa2: {  	s9 =	simm.s32 $0x0;
	s20 =	sshll.u32 s7, $0x1;
	s7 =	sadd.s32 s21, s5  }
0xa3: {  	[timem:s9], [sflag:s22] =	dma.local [hbm:s7], s20  }
0xa4: {  	_ =	swait.ge [sflag:s22], s20  }
0xa5: {  	s6 =	ssub.s32 $0x0, s20;
	[sflag:s22] =	ssyncset.done $0x0  }
0xa6: {  	[sflag:s22] =	ssyncadd.s32 s6;
	_ =	sdelay $0x1  }
0xa7: {  	s23 =	simm.s32 $0x1B8B  }
0xa8: {  	_ =	swait.ge [sflag:s23], $0x1  }
0xa9: {  	[sflag:s23] =	ssyncset.done $0x0  }
0xaa: {  	s25 =	simm.s32 $0x1B8E;
	s24 =	sld [smem:$0x3FFE];
	[sflag:s23] =	ssyncadd.s32 $0xFFFFFFFF  }
0xab: {  	s26 =	simm.s32 $execute0_lowered;
	[smem:$0x3FD2] =	sst s25  }
0xac: {  	s7 =	sshll.u32 s26, $0x1;
	_ =	strace $0x80000046;
	[dreg:$0x1] =	wrdreg $0xFFFFFFFF  }
0xad: {  	s28 =	simm.s32 $_size_execute0_lowered;
	s5 =	sadd.s32 s5, s7;
	[dreg:$0x0] =	wrdreg $0x0  }
0xae: {  	s7 =	sshll.u32 s28, $0x1;
	[dreg:$0x2] =	wrdreg s5  }
0xaf: {  	[dreg:$0x3] =	wrdreg s7  }
0xb0: {  	[dreg:$0x4] =	wrdreg $0xC0  }
0xb1: {  	_ =	task [dreg:s9], $0x5FFFF  }
0xb2: {  	[dreg:$0x1] =	wrdreg $0xFFFFFFFF  }
0xb3: {  	[dreg:$0x0] =	wrdreg $0x60  }
0xb4: {  	[dreg:$0x2] =	wrdreg s15  }
0xb5: {  	[dreg:$0x3] =	wrdreg s24  }
0xb6: {  	[dreg:$0x4] =	wrdreg s16  }
0xb7: {  	[dreg:$0x5] =	wrdreg s17  }
0xb8: {  	[dreg:$0x6] =	wrdreg $0xC1000  }
0xb9: {  	[dreg:$0x7] =	wrdreg $0x9  }
0xba: {  	_ =	task.clear_ibuf [dreg:s9], $0x8FFFF;
	_ =	strace $0x90000046  }
0xbb: {  	s29 =	simm.s32 $0x9;
	_ =	strace $0x80000048  }
0xbc: {  	_ =	swait.ge [sflag:s29], $0x1  }
0xbd: {  	[sflag:s29] =	ssyncadd.s32 $0xFFFFFFFF  }
0xbe: {  	_ =	strace $0x90000048  }
0xbf: {  	_ =	sfence  }
0xc0: {  	s30 =	sld [smem:$0x0];
	_ =	sdelay $0x2  }
0xc1: {  	s31 =	sshll.u32 s1, $0xD;
	s1 =	sshrl.u32 s1, $0x2  }
0xc2: {  	s3 =	sand.u32 $0x4000, s31;
	s1 =	sadd.s32 s1, s30  }
0xc3: {  	s0 =	sor.u32 s3, s0;
	s1 =	sshll.u32 s1, $0x11  }
0xc4: {  	s0 =	sor.u32 s1, s0  }
0xc5: {  	s0 =	sadd.s32 $0x8F2B, s0  }
0xc6: {  	[sflag:s0] =	ssyncadd.remote.s32 $0x1  }
0xc7: {  	_ =	sfence.sel $0xFFFF  }
0xc8: {  	[dreg:$0x0] =	wrdreg $0xFFFFFFFF;
	(pc) =	sbr.abs _section_cstart, $3  }
0xc9: {  	[dreg:$0x1] =	wrdreg $0xFFFFFFFF  }
0xca: {  	_ =	task.clear_ibuf [dreg:s9], $0x2FFFF;
	_ =	strace $0x9FFFFFFF  }
0xcb: {  	(tm) =	ssettm $0x7FFFFFFF  }
tec
execute0_lowered:
.L_overlay_start_1:
0x0: {  	(tag) =	ssettag $0x1  }
0x1: {  	s1 =	rddreg [dreg:$0x0]  }
0x2: {  	s0 =	rddreg [dreg:$0x1]  }
0x3: {  	s2 =	rddreg [dreg:$0x2]  }
0x4: {  	s4 =	rddreg [dreg:$0x3]  }
0x5: {  	s3 =	rddreg [dreg:$0x4];
	s5 =	simm.s32 $0x0  }
0x6: {  	s6 =	srdreg.scid;
	s21 =	stileid.u32;
	s28 =	simm.s32 $0x100  }
0x7: {  	s29 =	simm.s32 $0x4100;
	s30 =	simm.s32 $0x1;
	s31 =	simm.s32 $0x8100  }
0x8: {  	[smem:$0x7FF] =	sst s5;
	s15 =	sand.u32 $0x1, s6;
	s16 =	smul.u32 $0x13C00, s21  }
0x9: {  	s6 =	sadd.s32 $0x29800, s0;
	s7 =	sadd.s32 $0x2600, s0;
	s8 =	sadd.s32 $0x55A00, s0  }
0xa: {  	s9 =	sadd.s32 $0x50A00, s0;
	s10 =	sadd.s32 $0x5AA00, s0;
	s11 =	sadd.s32 $0x9E4600, s0  }
0xb: {  	s12 =	sadd.s32 $0xC64600, s0;
	s18 =	smul.u32 $0x4F000, s21;
	s20 =	sshll.u32 s21, $0x1  }
0xc: {  	s21 =	sshll.u32 s21, $0x6;
	s13 =	smul.u32 $0x13C000, s15;
	s25 =	ssub.s32 $0x2, s15  }
0xd: {  	_ =	strace $0x80000047;
	s15 =	sor.u32 s15, s20;
	s19 =	sshrl.u32 s25, $0x1  }
0xe: {  	s18 =	sshrl.u32 s18, $0x2;
	s26 =	sshrl.u32 s16, $0x3;
	s14 =	sadd.s32 s16, s13  }
0xf: {  	s22 =	sshll.u32 s15, $0x4;
	s13 =	sadd.s32 $0xEE4600, s0;
	s17 =	sshrl.u32 s14, $0x3  }
0x10: {  	s23 =	ssub.s32 s25, s19;
	s14 =	sadd.s32 $0x1164600, s0;
	s0 =	sadd.s32 s17, s0  }
0x11: {  	s18 =	sadd.s32 s18, s3;
	s16 =	sor.u32 $0x1C02, s21;
	s24 =	sadd.s32 $0x2DAA00, s0  }
0x12: {  	s19 =	sadd.s32 s4, s26;
	s25 =	sadd.s32 $0x329A00, s0;
	[dreg:$0x6] =	wrdreg s24  }
0x13: {  	s23 =	smax.u32 s23, $0x1;
	s26 =	sadd.s32 $0x378A00, s0;
	[dreg:$0x7] =	wrdreg s25  }
0x14: {  	s17 =	sand.u32 $0x70, s22;
	s22 =	sadd.s32 $0x3C7A00, s0;
	[dreg:$0x8] =	wrdreg s26  }
0x15: {  	s24 =	sshrl.u32 s18, $0x3;
	s25 =	simm.s32 $0x2;
	s26 =	simm.s32 $0x80  }
.LBB2_1:
0x16: {  	[spmem:s24], [sflag:s16] =	dma.local [hbm:s19], $0x2780  }
0x17: {  	_ =	swait.ge [sflag:s25], $0x2780  }
0x18: {  	[sflag:s25] =	ssyncset.done $0x0  }
0x19: {  	[sflag:s25] =	ssyncadd.s32 $0xFFFFD880  }
0x1a: {  	s0 =	simm.s32 $0x0;
	[bflag:$0x0] =	sbarrier.arrive $0xFFFF  }
.LBB2_2:
0x1b: {  	s4 =	sshll.u32 s0, $0x5  }
0x1c: {  	s4 =	sor.u32 s15, s4  }
0x1d: {  	s18 =	sshll.u32 s4, $0x4  }
0x1e: {  	s18 =	sand.u32 $0x7F80, s18  }
0x1f: {  	s18 =	sor.u32 s17, s18  }
0x20: {  	s21 =	simm.s32 $0x0;
	s20 =	sadd.s32 s8, s18  }
0x21: {  	[tilespmem:s21], [sflag:$0x2] =	stream.linear.gather [hbm4b:s20+s21], $0x80, $0x38;
	[tilespmem:$0x1FD00] =	vst v63  }
0x22: {  	_ =	swait.ge [sflag:s25], $0x80  }
0x23: {  	[sflag:s25] =	ssyncset.done $0x0  }
0x24: {  	s18 =	sadd.s32 s9, s18;
	[sflag:s25] =	ssyncadd.s32 $0xFFFFFF80  }
0x25: {  	[tilespmem:s26], [sflag:$0x2] =	stream.linear.gather [hbm4b:s18+s21], $0x80, $0x38;
	[tilespmem:$0x1FD00] =	vst v63  }
0x26: {  	_ =	swait.ge [sflag:s25], $0x80  }
0x27: {  	[sflag:s25] =	ssyncset.done $0x0  }
0x28: {  	s4 =	sshll.u32 s4, $0xB;
	[sflag:s25] =	ssyncadd.s32 $0xFFFFFF80  }
0x29: {  	[tilespmem:s28], [sflag:$0x1] =	stream.indirect.gather [hbm4b:s1+s26], $0x80, s21, s26, $0xb8;
	[tilespmem:$0x1FD00] =	vst v63  }
0x2a: {  	s4 =	sadd.s32 s10, s4  }
0x2b: {  	[tilespmem:s29], [sflag:$0x2] =	stream.linear.gather [hbm4b:s4+s21], $0x4000, $0x38;
	[tilespmem:$0x1FD00] =	vst v63  }
0x2c: {  	_ =	swait.ge [sflag:s25], $0x4000  }
0x2d: {  	[sflag:s25] =	ssyncset.done $0x0  }
0x2e: {  	[sflag:s25] =	ssyncadd.s32 $0xFFFFC000  }
0x2f: {  	_ =	swait.ge [sflag:s30], $0x4000  }
0x30: {  	[sflag:s30] =	ssyncset.done $0x0  }
0x31: {  	s4 =	simm.s32 $0x0;
	[sflag:s30] =	ssyncadd.s32 $0xFFFFC000  }
0x32: {  	v7 =	vld [tilespmem:s4+$0x4100]  }
0x33: {  	v11 =	vld [tilespmem:s4+$0x4110]  }
0x34: {  	v5 =	vld [tilespmem:s4+$0x4120]  }
0x35: {  	v4 =	vld [tilespmem:s4+$0x4130]  }
0x36: {  	v3 =	vld [tilespmem:s4+$0x4140]  }
0x37: {  	v2 =	vld [tilespmem:s4+$0x4150]  }
0x38: {  	v1 =	vld [tilespmem:s4+$0x4160]  }
0x39: {  	v0 =	vld [tilespmem:s4+$0x4170]  }
0x3a: {  	v12 =	vld [tilespmem:s4+$0x100]  }
0x3b: {  	v13 =	vld [tilespmem:s4+$0x110]  }
0x3c: {  	v10 =	vld [tilespmem:s4+$0x120]  }
0x3d: {  	v9 =	vld [tilespmem:s4+$0x130]  }
0x3e: {  	v8 =	vld [tilespmem:s4+$0x140]  }
0x3f: {  	v6 =	vld [tilespmem:s4+$0x150];
	v12 =	vmul.f32 v7, v12  }
0x40: {  	s18 =	simm.s32 $0x200;
	v11 =	vmul.f32 v11, v13;
	v7 =	vld [tilespmem:s4+$0x160]  }
.LBB2_3:
0x41: {  	s20 =	sshra.s32 s18, $0x2;
	p0 =	sne.s32 s18, $0xFE00;
	[tilespmem:s4+$0x100] =	vst v12;
	v5 =	vmul.f32 v5, v10;
	v10 =	vld [tilespmem:s4+$0x170]  }
0x42: {  	v12 =	vld [tilespmem:s20+$0x4100];
	[tilespmem:s4+$0x110] =	vst v11;
	v4 =	vmul.f32 v4, v9  }
0x43: {  	v11 =	vld [tilespmem:s20+$0x4110];
	[tilespmem:s4+$0x120] =	vst v5;
	v3 =	vmul.f32 v3, v8  }
0x44: {  	v5 =	vld [tilespmem:s20+$0x4120];
	[tilespmem:s4+$0x130] =	vst v4;
	v2 =	vmul.f32 v2, v6  }
0x45: {  	v4 =	vld [tilespmem:s20+$0x4130];
	[tilespmem:s4+$0x140] =	vst v3;
	v1 =	vmul.f32 v1, v7  }
0x46: {  	v3 =	vld [tilespmem:s20+$0x4140];
	[tilespmem:s4+$0x150] =	vst v2;
	v0 =	vmul.f32 v0, v10  }
0x47: {  	v2 =	vld [tilespmem:s20+$0x4150];
	[tilespmem:s4+$0x160] =	vst v1  }
0x48: {  	v1 =	vld [tilespmem:s20+$0x4160];
	[tilespmem:s4+$0x170] =	vst v0;
	s4 =	smov.u32 s20  }
0x49: {  	v0 =	vld [tilespmem:s4+$0x4170]  }
0x4a: {  	v6 =	vld [tilespmem:s4+$0x100]  }
0x4b: {  	v7 =	vld [tilespmem:s4+$0x110]  }
.Ltmp0:
0x4c: {  	v10 =	vld [tilespmem:s4+$0x120];
	(pc) =	sbr.rel @p0 .LBB2_3-.Ltmp0, $4  }
0x4d: {  	v9 =	vld [tilespmem:s4+$0x130]  }
0x4e: {  	v8 =	vld [tilespmem:s4+$0x140]  }
0x4f: {  	v12 =	vmul.f32 v12, v6;
	v6 =	vld [tilespmem:s4+$0x150]  }
0x50: {  	s18 =	sadd.s32 $0x200, s18;
	v11 =	vmul.f32 v11, v7;
	v7 =	vld [tilespmem:s4+$0x160]  }
0x51: {  	[tilespmem:s4+$0x100] =	vst v12;
	v5 =	vmul.f32 v5, v10;
	v63 =	vld [tilespmem:s4+$0x170]  }
0x52: {  	[tilespmem:s4+$0x110] =	vst v11;
	v4 =	vmul.f32 v4, v9  }
0x53: {  	[tilespmem:s4+$0x120] =	vst v5;
	v3 =	vmul.f32 v3, v8  }
0x54: {  	[tilespmem:s4+$0x130] =	vst v4;
	v2 =	vmul.f32 v2, v6  }
0x55: {  	[tilespmem:s4+$0x140] =	vst v3;
	v1 =	vmul.f32 v1, v7  }
0x56: {  	s0 =	sadd.s32 $0x1, s0;
	[tilespmem:s4+$0x150] =	vst v2;
	v0 =	vmul.f32 v0, v63  }
0x57: {  	p0 =	sne.s32 s0, $0x28;
	[tilespmem:s4+$0x160] =	vst v1  }
.Ltmp1:
0x58: {  	[tilespmem:s4+$0x170] =	vst v0;
	(pc) =	sbr.rel @p0 .LBB2_2-.Ltmp1, $4  }
0x59: {  	[spmem:s3] =	stream.indirect.scatter.add.f32 [tilespmem:s28], [sflag:$0x2], $0x80, s26, s26, $0xb8;
	[tilespmem:$0x1FD00] =	vst v63  }
0x5a: {  	_ =	swait.ge [sflag:s25], $0x4000  }
0x5b: {  	[sflag:s25] =	ssyncset.done $0x0  }
0x5c: {  	[sflag:s25] =	ssyncadd.s32 $0xFFFFC000  }
0x5d: {  	[bflag:$0x0] =	sbarrier.arrive $0xFFFF  }
0x5e: {  	s0 =	rddreg [dreg:$0x6]  }
0x5f: {  	[hbm:s0], [sflag:s16] =	dma.local [spmem:s24], $0x2780  }
0x60: {  	_ =	swait.ge [sflag:s25], $0x2780  }
0x61: {  	[sflag:s25] =	ssyncset.done $0x0  }
0x62: {  	[sflag:s25] =	ssyncadd.s32 $0xFFFFD880  }
0x63: {  	[spmem:s24], [sflag:s16] =	dma.local [hbm:s19], $0x2780  }
0x64: {  	_ =	swait.ge [sflag:s25], $0x2780  }
0x65: {  	[sflag:s25] =	ssyncset.done $0x0  }
0x66: {  	[sflag:s25] =	ssyncadd.s32 $0xFFFFD880  }
0x67: {  	s4 =	simm.s32 $0x0;
	s0 =	simm.s32 $0x0;
	[bflag:$0x0] =	sbarrier.arrive $0xFFFF  }
.LBB2_6:
0x68: {  	s18 =	sshll.u32 s4, $0x5  }
0x69: {  	s18 =	sor.u32 s15, s18  }
0x6a: {  	s20 =	sshll.u32 s18, $0x4  }
0x6b: {  	s20 =	sand.u32 $0x7F80, s20  }
0x6c: {  	s20 =	sor.u32 s17, s20  }
0x6d: {  	s21 =	sadd.s32 s8, s20  }
0x6e: {  	[tilespmem:s0], [sflag:$0x2] =	stream.linear.gather [hbm4b:s21+s0], $0x80, $0x38;
	[tilespmem:$0x1FD00] =	vst v63  }
0x6f: {  	_ =	swait.ge [sflag:s25], $0x80  }
0x70: {  	[sflag:s25] =	ssyncset.done $0x0  }
0x71: {  	s20 =	sadd.s32 s9, s20;
	[sflag:s25] =	ssyncadd.s32 $0xFFFFFF80  }
0x72: {  	[tilespmem:s26], [sflag:$0x2] =	stream.linear.gather [hbm4b:s20+s0], $0x80, $0x38;
	[tilespmem:$0x1FD00] =	vst v63  }
0x73: {  	_ =	swait.ge [sflag:s25], $0x80  }
0x74: {  	[sflag:s25] =	ssyncset.done $0x0  }
0x75: {  	s18 =	sshll.u32 s18, $0xB;
	[sflag:s25] =	ssyncadd.s32 $0xFFFFFF80  }
0x76: {  	[tilespmem:s28], [sflag:$0x1] =	stream.indirect.gather [hbm4b:s6+s26], $0x80, s0, s26, $0xb8;
	[tilespmem:$0x1FD00] =	vst v63  }
0x77: {  	s21 =	sadd.s32 s11, s18  }
0x78: {  	[tilespmem:s29], [sflag:$0x2] =	stream.linear.gather [hbm4b:s21+s0], $0x4000, $0x38;
	[tilespmem:$0x1FD00] =	vst v63  }
0x79: {  	_ =	swait.ge [sflag:s25], $0x4000  }
0x7a: {  	[sflag:s25] =	ssyncset.done $0x0  }
0x7b: {  	s18 =	sadd.s32 s12, s18;
	[sflag:s25] =	ssyncadd.s32 $0xFFFFC000  }
0x7c: {  	[tilespmem:s31], [sflag:$0x2] =	stream.linear.gather [hbm4b:s18+s0], $0x4000, $0x38;
	[tilespmem:$0x1FD00] =	vst v63  }
0x7d: {  	_ =	swait.ge [sflag:s25], $0x4000  }
0x7e: {  	[sflag:s25] =	ssyncset.done $0x0  }
0x7f: {  	[sflag:s25] =	ssyncadd.s32 $0xFFFFC000  }
0x80: {  	_ =	swait.ge [sflag:s30], $0x4000  }
0x81: {  	[sflag:s30] =	ssyncset.done $0x0  }
0x82: {  	s18 =	simm.s32 $0x0;
	[sflag:s30] =	ssyncadd.s32 $0xFFFFC000  }
0x83: {  	v5 =	vld [tilespmem:s18+$0x8100]  }
0x84: {  	v4 =	vld [tilespmem:s18+$0x8110]  }
0x85: {  	v3 =	vld [tilespmem:s18+$0x8120]  }
0x86: {  	v2 =	vld [tilespmem:s18+$0x8130]  }
0x87: {  	v1 =	vld [tilespmem:s18+$0x8140]  }
0x88: {  	v0 =	vld [tilespmem:s18+$0x8150]  }
0x89: {  	v12 =	vld [tilespmem:s18+$0x4100]  }
0x8a: {  	v17 =	vld [tilespmem:s18+$0x4110]  }
0x8b: {  	v11 =	vld [tilespmem:s18+$0x4120]  }
0x8c: {  	v10 =	vld [tilespmem:s18+$0x4130]  }
0x8d: {  	v9 =	vld [tilespmem:s18+$0x4140]  }
0x8e: {  	v8 =	vld [tilespmem:s18+$0x4150]  }
0x8f: {  	v7 =	vld [tilespmem:s18+$0x4160]  }
0x90: {  	v6 =	vld [tilespmem:s18+$0x4170]  }
0x91: {  	v18 =	vld [tilespmem:s18+$0x100]  }
0x92: {  	v19 =	vld [tilespmem:s18+$0x110]  }
0x93: {  	v16 =	vld [tilespmem:s18+$0x120]  }
0x94: {  	v15 =	vld [tilespmem:s18+$0x130]  }
0x95: {  	v14 =	vld [tilespmem:s18+$0x140]  }
0x96: {  	v13 =	vld [tilespmem:s18+$0x150];
	v18 =	vmul.f32 v12, v18  }
0x97: {  	s20 =	simm.s32 $0x200;
	v17 =	vmul.f32 v17, v19;
	v12 =	vld [tilespmem:s18+$0x160]  }
.LBB2_7:
0x98: {  	p0 =	sne.s32 s20, $0xFE00;
	v5 =	vadd.f32 v5, v18;
	v11 =	vmul.f32 v11, v16;
	v16 =	vld [tilespmem:s18+$0x170]  }
0x99: {  	v4 =	vadd.f32 v4, v17;
	v10 =	vmul.f32 v10, v15;
	v15 =	vld [tilespmem:s18+$0x8160]  }
0x9a: {  	s21 =	sshra.s32 s20, $0x2;
	[tilespmem:s18+$0x100] =	vst v5;
	v3 =	vadd.f32 v3, v11;
	v9 =	vmul.f32 v9, v14;
	v11 =	vld [tilespmem:s18+$0x8170]  }
0x9b: {  	v5 =	vld [tilespmem:s21+$0x8100];
	[tilespmem:s18+$0x110] =	vst v4;
	v2 =	vadd.f32 v2, v10;
	v8 =	vmul.f32 v8, v13  }
0x9c: {  	v4 =	vld [tilespmem:s21+$0x8110];
	[tilespmem:s18+$0x120] =	vst v3;
	v1 =	vadd.f32 v1, v9;
	v7 =	vmul.f32 v7, v12  }
0x9d: {  	v3 =	vld [tilespmem:s21+$0x8120];
	[tilespmem:s18+$0x130] =	vst v2;
	v0 =	vadd.f32 v0, v8;
	v6 =	vmul.f32 v6, v16  }
0x9e: {  	v2 =	vld [tilespmem:s21+$0x8130];
	[tilespmem:s18+$0x140] =	vst v1;
	v7 =	vadd.f32 v15, v7  }
0x9f: {  	v1 =	vld [tilespmem:s21+$0x8140];
	[tilespmem:s18+$0x150] =	vst v0;
	v6 =	vadd.f32 v11, v6  }
0xa0: {  	v0 =	vld [tilespmem:s21+$0x8150];
	[tilespmem:s18+$0x160] =	vst v7  }
0xa1: {  	v12 =	vld [tilespmem:s21+$0x4100];
	[tilespmem:s18+$0x170] =	vst v6;
	s18 =	smov.u32 s21  }
0xa2: {  	v17 =	vld [tilespmem:s18+$0x4110]  }
0xa3: {  	v11 =	vld [tilespmem:s18+$0x4120]  }
0xa4: {  	v10 =	vld [tilespmem:s18+$0x4130]  }
0xa5: {  	v9 =	vld [tilespmem:s18+$0x4140]  }
0xa6: {  	v8 =	vld [tilespmem:s18+$0x4150]  }
0xa7: {  	v7 =	vld [tilespmem:s18+$0x4160]  }
0xa8: {  	v6 =	vld [tilespmem:s18+$0x4170]  }
0xa9: {  	v13 =	vld [tilespmem:s18+$0x100]  }
0xaa: {  	v19 =	vld [tilespmem:s18+$0x110]  }
.Ltmp2:
0xab: {  	v16 =	vld [tilespmem:s18+$0x120];
	(pc) =	sbr.rel @p0 .LBB2_7-.Ltmp2, $4  }
0xac: {  	v15 =	vld [tilespmem:s18+$0x130]  }
0xad: {  	v14 =	vld [tilespmem:s18+$0x140]  }
0xae: {  	v18 =	vmul.f32 v12, v13;
	v13 =	vld [tilespmem:s18+$0x150]  }
0xaf: {  	s20 =	sadd.s32 $0x200, s20;
	v17 =	vmul.f32 v17, v19;
	v12 =	vld [tilespmem:s18+$0x160]  }
0xb0: {  	v5 =	vadd.f32 v5, v18;
	v55 =	vld [tilespmem:s18+$0x170];
	v11 =	vmul.f32 v11, v16  }
0xb1: {  	v56 =	vld [tilespmem:s18+$0x8160];
	v4 =	vadd.f32 v4, v17;
	v10 =	vmul.f32 v10, v15  }
0xb2: {  	v58 =	vld [tilespmem:s18+$0x8170];
	[tilespmem:s18+$0x100] =	vst v5;
	v3 =	vadd.f32 v3, v11;
	v57 =	vmul.f32 v9, v14  }
0xb3: {  	[tilespmem:s18+$0x110] =	vst v4;
	v2 =	vadd.f32 v2, v10;
	v59 =	vmul.f32 v8, v13  }
0xb4: {  	[tilespmem:s18+$0x120] =	vst v3;
	v1 =	vadd.f32 v1, v57;
	v60 =	vmul.f32 v7, v12  }
0xb5: {  	[tilespmem:s18+$0x130] =	vst v2;
	v0 =	vadd.f32 v0, v59;
	v61 =	vmul.f32 v6, v55  }
0xb6: {  	[tilespmem:s18+$0x140] =	vst v1;
	v62 =	vadd.f32 v56, v60  }
0xb7: {  	s4 =	sadd.s32 $0x1, s4;
	[tilespmem:s18+$0x150] =	vst v0;
	v63 =	vadd.f32 v58, v61  }
0xb8: {  	p0 =	sne.s32 s4, $0x28;
	[tilespmem:s18+$0x160] =	vst v62  }
.Ltmp3:
0xb9: {  	[tilespmem:s18+$0x170] =	vst v63;
	(pc) =	sbr.rel @p0 .LBB2_6-.Ltmp3, $4  }
0xba: {  	[spmem:s3] =	stream.indirect.scatter.add.f32 [tilespmem:s28], [sflag:$0x2], $0x80, s26, s26, $0xb8;
	[tilespmem:$0x1FD00] =	vst v63  }
0xbb: {  	_ =	swait.ge [sflag:s25], $0x4000  }
0xbc: {  	[sflag:s25] =	ssyncset.done $0x0  }
0xbd: {  	[sflag:s25] =	ssyncadd.s32 $0xFFFFC000  }
0xbe: {  	[bflag:$0x0] =	sbarrier.arrive $0xFFFF  }
0xbf: {  	s0 =	rddreg [dreg:$0x7]  }
0xc0: {  	[hbm:s0], [sflag:s16] =	dma.local [spmem:s24], $0x2780  }
0xc1: {  	_ =	swait.ge [sflag:s25], $0x2780  }
0xc2: {  	[sflag:s25] =	ssyncset.done $0x0  }
0xc3: {  	[sflag:s25] =	ssyncadd.s32 $0xFFFFD880  }
0xc4: {  	[spmem:s24], [sflag:s16] =	dma.local [hbm:s19], $0x2780  }
0xc5: {  	_ =	swait.ge [sflag:s25], $0x2780  }
0xc6: {  	[sflag:s25] =	ssyncset.done $0x0  }
0xc7: {  	[sflag:s25] =	ssyncadd.s32 $0xFFFFD880  }
0xc8: {  	s4 =	simm.s32 $0x0;
	s0 =	simm.s32 $0x0;
	[bflag:$0x0] =	sbarrier.arrive $0xFFFF  }
.LBB2_10:
0xc9: {  	s18 =	sshll.u32 s4, $0x5  }
0xca: {  	s18 =	sor.u32 s15, s18  }
0xcb: {  	s20 =	sshll.u32 s18, $0x4  }
0xcc: {  	s20 =	sand.u32 $0x7F80, s20  }
0xcd: {  	s20 =	sor.u32 s17, s20  }
0xce: {  	s21 =	sadd.s32 s8, s20  }
0xcf: {  	[tilespmem:s0], [sflag:$0x2] =	stream.linear.gather [hbm4b:s21+s0], $0x80, $0x38;
	[tilespmem:$0x1FD00] =	vst v63  }
0xd0: {  	_ =	swait.ge [sflag:s25], $0x80  }
0xd1: {  	[sflag:s25] =	ssyncset.done $0x0  }
0xd2: {  	s20 =	sadd.s32 s9, s20;
	[sflag:s25] =	ssyncadd.s32 $0xFFFFFF80  }
0xd3: {  	[tilespmem:s26], [sflag:$0x2] =	stream.linear.gather [hbm4b:s20+s0], $0x80, $0x38;
	[tilespmem:$0x1FD00] =	vst v63  }
0xd4: {  	_ =	swait.ge [sflag:s25], $0x80  }
0xd5: {  	[sflag:s25] =	ssyncset.done $0x0  }
0xd6: {  	s18 =	sshll.u32 s18, $0xB;
	[sflag:s25] =	ssyncadd.s32 $0xFFFFFF80  }
0xd7: {  	[tilespmem:s28], [sflag:$0x1] =	stream.indirect.gather [hbm4b:s7+s26], $0x80, s0, s26, $0xb8;
	[tilespmem:$0x1FD00] =	vst v63  }
0xd8: {  	s21 =	sadd.s32 s11, s18  }
0xd9: {  	[tilespmem:s29], [sflag:$0x2] =	stream.linear.gather [hbm4b:s21+s0], $0x4000, $0x38;
	[tilespmem:$0x1FD00] =	vst v63  }
0xda: {  	_ =	swait.ge [sflag:s25], $0x4000  }
0xdb: {  	[sflag:s25] =	ssyncset.done $0x0  }
0xdc: {  	s18 =	sadd.s32 s13, s18;
	[sflag:s25] =	ssyncadd.s32 $0xFFFFC000  }
0xdd: {  	[tilespmem:s31], [sflag:$0x2] =	stream.linear.gather [hbm4b:s18+s0], $0x4000, $0x38;
	[tilespmem:$0x1FD00] =	vst v63  }
0xde: {  	_ =	swait.ge [sflag:s25], $0x4000  }
0xdf: {  	[sflag:s25] =	ssyncset.done $0x0  }
0xe0: {  	[sflag:s25] =	ssyncadd.s32 $0xFFFFC000  }
0xe1: {  	_ =	swait.ge [sflag:s30], $0x4000  }
0xe2: {  	[sflag:s30] =	ssyncset.done $0x0  }
0xe3: {  	s18 =	simm.s32 $0x0;
	[sflag:s30] =	ssyncadd.s32 $0xFFFFC000  }
0xe4: {  	v5 =	vld [tilespmem:s18+$0x8100]  }
0xe5: {  	v4 =	vld [tilespmem:s18+$0x8110]  }
0xe6: {  	v3 =	vld [tilespmem:s18+$0x8120]  }
0xe7: {  	v2 =	vld [tilespmem:s18+$0x8130]  }
0xe8: {  	v1 =	vld [tilespmem:s18+$0x8140]  }
0xe9: {  	v0 =	vld [tilespmem:s18+$0x8150]  }
0xea: {  	v12 =	vld [tilespmem:s18+$0x4100]  }
0xeb: {  	v17 =	vld [tilespmem:s18+$0x4110]  }
0xec: {  	v11 =	vld [tilespmem:s18+$0x4120]  }
0xed: {  	v10 =	vld [tilespmem:s18+$0x4130]  }
0xee: {  	v9 =	vld [tilespmem:s18+$0x4140]  }
0xef: {  	v8 =	vld [tilespmem:s18+$0x4150]  }
0xf0: {  	v7 =	vld [tilespmem:s18+$0x4160]  }
0xf1: {  	v6 =	vld [tilespmem:s18+$0x4170]  }
0xf2: {  	v18 =	vld [tilespmem:s18+$0x100]  }
0xf3: {  	v19 =	vld [tilespmem:s18+$0x110]  }
0xf4: {  	v16 =	vld [tilespmem:s18+$0x120]  }
0xf5: {  	v15 =	vld [tilespmem:s18+$0x130]  }
0xf6: {  	v14 =	vld [tilespmem:s18+$0x140]  }
0xf7: {  	v13 =	vld [tilespmem:s18+$0x150];
	v18 =	vmul.f32 v12, v18  }
0xf8: {  	s20 =	simm.s32 $0x200;
	v17 =	vmul.f32 v17, v19;
	v12 =	vld [tilespmem:s18+$0x160]  }
.LBB2_11:
0xf9: {  	p0 =	sne.s32 s20, $0xFE00;
	v5 =	vadd.f32 v5, v18;
	v11 =	vmul.f32 v11, v16;
	v16 =	vld [tilespmem:s18+$0x170]  }
0xfa: {  	v4 =	vadd.f32 v4, v17;
	v10 =	vmul.f32 v10, v15;
	v15 =	vld [tilespmem:s18+$0x8160]  }
0xfb: {  	s21 =	sshra.s32 s20, $0x2;
	[tilespmem:s18+$0x100] =	vst v5;
	v3 =	vadd.f32 v3, v11;
	v9 =	vmul.f32 v9, v14;
	v11 =	vld [tilespmem:s18+$0x8170]  }
0xfc: {  	v5 =	vld [tilespmem:s21+$0x8100];
	[tilespmem:s18+$0x110] =	vst v4;
	v2 =	vadd.f32 v2, v10;
	v8 =	vmul.f32 v8, v13  }
0xfd: {  	v4 =	vld [tilespmem:s21+$0x8110];
	[tilespmem:s18+$0x120] =	vst v3;
	v1 =	vadd.f32 v1, v9;
	v7 =	vmul.f32 v7, v12  }
0xfe: {  	v3 =	vld [tilespmem:s21+$0x8120];
	[tilespmem:s18+$0x130] =	vst v2;
	v0 =	vadd.f32 v0, v8;
	v6 =	vmul.f32 v6, v16  }
0xff: {  	v2 =	vld [tilespmem:s21+$0x8130];
	[tilespmem:s18+$0x140] =	vst v1;
	v7 =	vadd.f32 v15, v7  }
0x100: {  	v1 =	vld [tilespmem:s21+$0x8140];
	[tilespmem:s18+$0x150] =	vst v0;
	v6 =	vadd.f32 v11, v6  }
0x101: {  	v0 =	vld [tilespmem:s21+$0x8150];
	[tilespmem:s18+$0x160] =	vst v7  }
0x102: {  	v12 =	vld [tilespmem:s21+$0x4100];
	[tilespmem:s18+$0x170] =	vst v6;
	s18 =	smov.u32 s21  }
0x103: {  	v17 =	vld [tilespmem:s18+$0x4110]  }
0x104: {  	v11 =	vld [tilespmem:s18+$0x4120]  }
0x105: {  	v10 =	vld [tilespmem:s18+$0x4130]  }
0x106: {  	v9 =	vld [tilespmem:s18+$0x4140]  }
0x107: {  	v8 =	vld [tilespmem:s18+$0x4150]  }
0x108: {  	v7 =	vld [tilespmem:s18+$0x4160]  }
0x109: {  	v6 =	vld [tilespmem:s18+$0x4170]  }
0x10a: {  	v13 =	vld [tilespmem:s18+$0x100]  }
0x10b: {  	v19 =	vld [tilespmem:s18+$0x110]  }
.Ltmp4:
0x10c: {  	v16 =	vld [tilespmem:s18+$0x120];
	(pc) =	sbr.rel @p0 .LBB2_11-.Ltmp4, $4  }
0x10d: {  	v15 =	vld [tilespmem:s18+$0x130]  }
0x10e: {  	v14 =	vld [tilespmem:s18+$0x140]  }
0x10f: {  	v18 =	vmul.f32 v12, v13;
	v13 =	vld [tilespmem:s18+$0x150]  }
0x110: {  	s20 =	sadd.s32 $0x200, s20;
	v17 =	vmul.f32 v17, v19;
	v12 =	vld [tilespmem:s18+$0x160]  }
0x111: {  	v5 =	vadd.f32 v5, v18;
	v55 =	vld [tilespmem:s18+$0x170];
	v11 =	vmul.f32 v11, v16  }
0x112: {  	v56 =	vld [tilespmem:s18+$0x8160];
	v4 =	vadd.f32 v4, v17;
	v10 =	vmul.f32 v10, v15  }
0x113: {  	v58 =	vld [tilespmem:s18+$0x8170];
	[tilespmem:s18+$0x100] =	vst v5;
	v3 =	vadd.f32 v3, v11;
	v57 =	vmul.f32 v9, v14  }
0x114: {  	[tilespmem:s18+$0x110] =	vst v4;
	v2 =	vadd.f32 v2, v10;
	v59 =	vmul.f32 v8, v13  }
0x115: {  	[tilespmem:s18+$0x120] =	vst v3;
	v1 =	vadd.f32 v1, v57;
	v60 =	vmul.f32 v7, v12  }
0x116: {  	[tilespmem:s18+$0x130] =	vst v2;
	v0 =	vadd.f32 v0, v59;
	v61 =	vmul.f32 v6, v55  }
0x117: {  	[tilespmem:s18+$0x140] =	vst v1;
	v62 =	vadd.f32 v56, v60  }
0x118: {  	s4 =	sadd.s32 $0x1, s4;
	[tilespmem:s18+$0x150] =	vst v0;
	v63 =	vadd.f32 v58, v61  }
0x119: {  	p0 =	sne.s32 s4, $0x28;
	[tilespmem:s18+$0x160] =	vst v62  }
.Ltmp5:
0x11a: {  	[tilespmem:s18+$0x170] =	vst v63;
	(pc) =	sbr.rel @p0 .LBB2_10-.Ltmp5, $4  }
0x11b: {  	[spmem:s3] =	stream.indirect.scatter.add.f32 [tilespmem:s28], [sflag:$0x2], $0x80, s26, s26, $0xb8;
	[tilespmem:$0x1FD00] =	vst v63  }
0x11c: {  	_ =	swait.ge [sflag:s25], $0x4000  }
0x11d: {  	[sflag:s25] =	ssyncset.done $0x0  }
0x11e: {  	[sflag:s25] =	ssyncadd.s32 $0xFFFFC000  }
0x11f: {  	[bflag:$0x0] =	sbarrier.arrive $0xFFFF  }
0x120: {  	s0 =	rddreg [dreg:$0x8]  }
0x121: {  	[hbm:s0], [sflag:s16] =	dma.local [spmem:s24], $0x2780  }
0x122: {  	_ =	swait.ge [sflag:s25], $0x2780  }
0x123: {  	[sflag:s25] =	ssyncset.done $0x0  }
0x124: {  	[sflag:s25] =	ssyncadd.s32 $0xFFFFD880  }
0x125: {  	[spmem:s24], [sflag:s16] =	dma.local [hbm:s19], $0x2780  }
0x126: {  	_ =	swait.ge [sflag:s25], $0x2780  }
0x127: {  	[sflag:s25] =	ssyncset.done $0x0  }
0x128: {  	[sflag:s25] =	ssyncadd.s32 $0xFFFFD880  }
0x129: {  	s4 =	simm.s32 $0x0;
	s0 =	simm.s32 $0x0;
	[bflag:$0x0] =	sbarrier.arrive $0xFFFF  }
.LBB2_14:
0x12a: {  	s18 =	sshll.u32 s4, $0x5  }
0x12b: {  	s18 =	sor.u32 s15, s18  }
0x12c: {  	s20 =	sshll.u32 s18, $0x4  }
0x12d: {  	s20 =	sand.u32 $0x7F80, s20  }
0x12e: {  	s20 =	sor.u32 s17, s20  }
0x12f: {  	s21 =	sadd.s32 s8, s20  }
0x130: {  	[tilespmem:s0], [sflag:$0x2] =	stream.linear.gather [hbm4b:s21+s0], $0x80, $0x38;
	[tilespmem:$0x1FD00] =	vst v63  }
0x131: {  	_ =	swait.ge [sflag:s25], $0x80  }
0x132: {  	[sflag:s25] =	ssyncset.done $0x0  }
0x133: {  	s20 =	sadd.s32 s9, s20;
	[sflag:s25] =	ssyncadd.s32 $0xFFFFFF80  }
0x134: {  	[tilespmem:s26], [sflag:$0x2] =	stream.linear.gather [hbm4b:s20+s0], $0x80, $0x38;
	[tilespmem:$0x1FD00] =	vst v63  }
0x135: {  	_ =	swait.ge [sflag:s25], $0x80  }
0x136: {  	[sflag:s25] =	ssyncset.done $0x0  }
0x137: {  	s18 =	sshll.u32 s18, $0xB;
	[sflag:s25] =	ssyncadd.s32 $0xFFFFFF80  }
0x138: {  	[tilespmem:s28], [sflag:$0x1] =	stream.indirect.gather [hbm4b:s2+s26], $0x80, s0, s26, $0xb8;
	[tilespmem:$0x1FD00] =	vst v63  }
0x139: {  	s21 =	sadd.s32 s11, s18  }
0x13a: {  	[tilespmem:s29], [sflag:$0x2] =	stream.linear.gather [hbm4b:s21+s0], $0x4000, $0x38;
	[tilespmem:$0x1FD00] =	vst v63  }
0x13b: {  	_ =	swait.ge [sflag:s25], $0x4000  }
0x13c: {  	[sflag:s25] =	ssyncset.done $0x0  }
0x13d: {  	s18 =	sadd.s32 s14, s18;
	[sflag:s25] =	ssyncadd.s32 $0xFFFFC000  }
0x13e: {  	[tilespmem:s31], [sflag:$0x2] =	stream.linear.gather [hbm4b:s18+s0], $0x4000, $0x38;
	[tilespmem:$0x1FD00] =	vst v63  }
0x13f: {  	_ =	swait.ge [sflag:s25], $0x4000  }
0x140: {  	[sflag:s25] =	ssyncset.done $0x0  }
0x141: {  	[sflag:s25] =	ssyncadd.s32 $0xFFFFC000  }
0x142: {  	_ =	swait.ge [sflag:s30], $0x4000  }
0x143: {  	[sflag:s30] =	ssyncset.done $0x0  }
0x144: {  	s18 =	simm.s32 $0x0;
	[sflag:s30] =	ssyncadd.s32 $0xFFFFC000  }
0x145: {  	v5 =	vld [tilespmem:s18+$0x8100]  }
0x146: {  	v4 =	vld [tilespmem:s18+$0x8110]  }
0x147: {  	v3 =	vld [tilespmem:s18+$0x8120]  }
0x148: {  	v2 =	vld [tilespmem:s18+$0x8130]  }
0x149: {  	v1 =	vld [tilespmem:s18+$0x8140]  }
0x14a: {  	v0 =	vld [tilespmem:s18+$0x8150]  }
0x14b: {  	v12 =	vld [tilespmem:s18+$0x4100]  }
0x14c: {  	v17 =	vld [tilespmem:s18+$0x4110]  }
0x14d: {  	v11 =	vld [tilespmem:s18+$0x4120]  }
0x14e: {  	v10 =	vld [tilespmem:s18+$0x4130]  }
0x14f: {  	v9 =	vld [tilespmem:s18+$0x4140]  }
0x150: {  	v8 =	vld [tilespmem:s18+$0x4150]  }
0x151: {  	v7 =	vld [tilespmem:s18+$0x4160]  }
0x152: {  	v6 =	vld [tilespmem:s18+$0x4170]  }
0x153: {  	v18 =	vld [tilespmem:s18+$0x100]  }
0x154: {  	v19 =	vld [tilespmem:s18+$0x110]  }
0x155: {  	v16 =	vld [tilespmem:s18+$0x120]  }
0x156: {  	v15 =	vld [tilespmem:s18+$0x130]  }
0x157: {  	v14 =	vld [tilespmem:s18+$0x140]  }
0x158: {  	v13 =	vld [tilespmem:s18+$0x150];
	v18 =	vmul.f32 v12, v18  }
0x159: {  	s20 =	simm.s32 $0x200;
	v17 =	vmul.f32 v17, v19;
	v12 =	vld [tilespmem:s18+$0x160]  }
.LBB2_15:
0x15a: {  	p0 =	sne.s32 s20, $0xFE00;
	v5 =	vadd.f32 v5, v18;
	v11 =	vmul.f32 v11, v16;
	v16 =	vld [tilespmem:s18+$0x170]  }
0x15b: {  	v4 =	vadd.f32 v4, v17;
	v10 =	vmul.f32 v10, v15;
	v15 =	vld [tilespmem:s18+$0x8160]  }
0x15c: {  	s21 =	sshra.s32 s20, $0x2;
	[tilespmem:s18+$0x100] =	vst v5;
	v3 =	vadd.f32 v3, v11;
	v9 =	vmul.f32 v9, v14;
	v11 =	vld [tilespmem:s18+$0x8170]  }
0x15d: {  	v5 =	vld [tilespmem:s21+$0x8100];
	[tilespmem:s18+$0x110] =	vst v4;
	v2 =	vadd.f32 v2, v10;
	v8 =	vmul.f32 v8, v13  }
0x15e: {  	v4 =	vld [tilespmem:s21+$0x8110];
	[tilespmem:s18+$0x120] =	vst v3;
	v1 =	vadd.f32 v1, v9;
	v7 =	vmul.f32 v7, v12  }
0x15f: {  	v3 =	vld [tilespmem:s21+$0x8120];
	[tilespmem:s18+$0x130] =	vst v2;
	v0 =	vadd.f32 v0, v8;
	v6 =	vmul.f32 v6, v16  }
0x160: {  	v2 =	vld [tilespmem:s21+$0x8130];
	[tilespmem:s18+$0x140] =	vst v1;
	v7 =	vadd.f32 v15, v7  }
0x161: {  	v1 =	vld [tilespmem:s21+$0x8140];
	[tilespmem:s18+$0x150] =	vst v0;
	v6 =	vadd.f32 v11, v6  }
0x162: {  	v0 =	vld [tilespmem:s21+$0x8150];
	[tilespmem:s18+$0x160] =	vst v7  }
0x163: {  	v12 =	vld [tilespmem:s21+$0x4100];
	[tilespmem:s18+$0x170] =	vst v6;
	s18 =	smov.u32 s21  }
0x164: {  	v17 =	vld [tilespmem:s18+$0x4110]  }
0x165: {  	v11 =	vld [tilespmem:s18+$0x4120]  }
0x166: {  	v10 =	vld [tilespmem:s18+$0x4130]  }
0x167: {  	v9 =	vld [tilespmem:s18+$0x4140]  }
0x168: {  	v8 =	vld [tilespmem:s18+$0x4150]  }
0x169: {  	v7 =	vld [tilespmem:s18+$0x4160]  }
0x16a: {  	v6 =	vld [tilespmem:s18+$0x4170]  }
0x16b: {  	v13 =	vld [tilespmem:s18+$0x100]  }
0x16c: {  	v19 =	vld [tilespmem:s18+$0x110]  }
.Ltmp6:
0x16d: {  	v16 =	vld [tilespmem:s18+$0x120];
	(pc) =	sbr.rel @p0 .LBB2_15-.Ltmp6, $4  }
0x16e: {  	v15 =	vld [tilespmem:s18+$0x130]  }
0x16f: {  	v14 =	vld [tilespmem:s18+$0x140]  }
0x170: {  	v18 =	vmul.f32 v12, v13;
	v13 =	vld [tilespmem:s18+$0x150]  }
0x171: {  	s20 =	sadd.s32 $0x200, s20;
	v17 =	vmul.f32 v17, v19;
	v12 =	vld [tilespmem:s18+$0x160]  }
0x172: {  	v5 =	vadd.f32 v5, v18;
	v55 =	vld [tilespmem:s18+$0x170];
	v11 =	vmul.f32 v11, v16  }
0x173: {  	v56 =	vld [tilespmem:s18+$0x8160];
	v4 =	vadd.f32 v4, v17;
	v10 =	vmul.f32 v10, v15  }
0x174: {  	v58 =	vld [tilespmem:s18+$0x8170];
	[tilespmem:s18+$0x100] =	vst v5;
	v3 =	vadd.f32 v3, v11;
	v57 =	vmul.f32 v9, v14  }
0x175: {  	[tilespmem:s18+$0x110] =	vst v4;
	v2 =	vadd.f32 v2, v10;
	v59 =	vmul.f32 v8, v13  }
0x176: {  	[tilespmem:s18+$0x120] =	vst v3;
	v1 =	vadd.f32 v1, v57;
	v60 =	vmul.f32 v7, v12  }
0x177: {  	[tilespmem:s18+$0x130] =	vst v2;
	v0 =	vadd.f32 v0, v59;
	v61 =	vmul.f32 v6, v55  }
0x178: {  	[tilespmem:s18+$0x140] =	vst v1;
	v62 =	vadd.f32 v56, v60  }
0x179: {  	s4 =	sadd.s32 $0x1, s4;
	[tilespmem:s18+$0x150] =	vst v0;
	v63 =	vadd.f32 v58, v61  }
0x17a: {  	p0 =	sne.s32 s4, $0x28;
	[tilespmem:s18+$0x160] =	vst v62  }
.Ltmp7:
0x17b: {  	[tilespmem:s18+$0x170] =	vst v63;
	(pc) =	sbr.rel @p0 .LBB2_14-.Ltmp7, $4  }
0x17c: {  	[spmem:s3] =	stream.indirect.scatter.add.f32 [tilespmem:s28], [sflag:$0x2], $0x80, s26, s26, $0xb8;
	[tilespmem:$0x1FD00] =	vst v63  }
0x17d: {  	_ =	swait.ge [sflag:s25], $0x4000  }
0x17e: {  	[sflag:s25] =	ssyncset.done $0x0  }
0x17f: {  	[sflag:s25] =	ssyncadd.s32 $0xFFFFC000  }
0x180: {  	s5 =	sadd.s32 $0x1, s5  }
0x181: {  	p0 =	sne.s32 s5, s23  }
.Ltmp8:
0x182: {  	[bflag:$0x0] =	sbarrier.arrive $0xFFFF;
	(pc) =	sbr.rel @p0 .LBB2_1-.Ltmp8, $4  }
0x183: {  	[hbm:s22], [sflag:s16] =	dma.local [spmem:s24], $0x2780  }
0x184: {  	_ =	swait.ge [sflag:s25], $0x2780  }
0x185: {  	[sflag:s25] =	ssyncset.done $0x0  }
0x186: {  	[sflag:s25] =	ssyncadd.s32 $0xFFFFD880  }
0x187: {  	_ =	sfence.sel $0x180000  }
0x188: {  	[bflag:$0x0] =	sbarrier.arrive $0xFFFF  }
0x189: {  	_ =	strace $0x90000047  }
0x18a: {  	s0 =	stileid.u32;
	[bflag:$0x2] =	sbarrier.arrive $0xFFFF  }
0x18b: {  	p0 =	sne.s32 s0, $0x0;
	s0 =	rddreg [dreg:$0x5]  }
0x18c: {  	s0 =	sadd.s32 @!p0 $0x100000, s0  }
0x18d: {  	[sflag:s0] =	ssyncadd.tile.s32 @!p0 $0x1;
	_ =	shalt  }
.Lfunc_end2:
_tile_overlayer_lowered:
.L_overlay_start_2:
0x18e: {  	(tag) =	ssettag $0x2  }
0x18f: {  	s0 =	rddreg [dreg:$0x0];
	s2 =	stileid.u32  }
0x190: {  	s1 =	rddreg [dreg:$0x1];
	p0 =	sne.s32 s2, $0x0  }
0x191: {  	s3 =	rddreg [dreg:$0x2];
	[bflag:$0x3] =	sbarrier.arrive $0xFFFF;
	s2 =	simm.s32 @!p0 $0x1C02  }
0x192: {  	[timem:s3], [sflag:s2] =	dma.local @!p0 [hbm:s0], s1  }
0x193: {  	s0 =	simm.s32 @!p0 $0x2  }
0x194: {  	_ =	swait.ge @!p0 [sflag:s0], s1  }
0x195: {  	s1 =	ssub.s32 @!p0 $0x0, s1;
	[sflag:s0] =	ssyncset.done @!p0 $0x0  }
0x196: {  	[sflag:s0] =	ssyncadd.s32 @!p0 s1  }
0x197: {  	[bflag:$0x3] =	sbarrier.arrive $0xFFFF  }
0x198: {  	_ =	shalt  }

</sc_bundles>
